<compile_context>
chip_gen: v7x
topology: tpu7x:2x2x1
jax: 0.10.2.dev20260603
libtpu: 0.0.44.dev20260713+nightly
codegen_flags: <defaults>
</compile_context>

<pallas_src>
import functools

import jax
import jax.numpy as jnp
from jax import lax
from jax.experimental import pallas as pl
from jax.experimental.pallas import tpu as pltpu
from jax.experimental.pallas import tpu_sc as plsc

N_PTS = 1048576
NB = 128
RT = NB * NB * NB * 4 // 16

NC = 2
NS = 16
NW = NC * NS

BLK = 1024
PER_W = N_PTS // NW
NBLK = PER_W // BLK
CHUNK = 512
NCHUNK = BLK * 4 // CHUNK

PADPOS = 1376
OUTV = 4608

_mesh = plsc.VectorSubcoreMesh(core_axis_name="c", subcore_axis_name="s")


@functools.partial(
    pl.kernel,
    mesh=_mesh,
    compiler_params=pltpu.CompilerParams(
        needs_layout_passes=False, use_tc_tiling_on_sc=False),
    out_type=[
        jax.ShapeDtypeStruct((N_PTS * 3,), jnp.float32),
        jax.ShapeDtypeStruct((N_PTS,), jnp.float32),
    ],
    scratch_types=[
        pltpu.VMEM((3, BLK), jnp.float32),
        pltpu.VMEM((BLK + 16,), jnp.int32),
        pltpu.VMEM((BLK + 16,), jnp.int32),
        pltpu.VMEM((BLK + 16,), jnp.int32),
        pltpu.VMEM((BLK * 4,), jnp.int32),
        pltpu.VMEM((BLK * 4, 16), jnp.float32),
        pltpu.VMEM((OUTV,), jnp.float32),
        pltpu.SemaphoreType.DMA,
    ],
)
def _voxel_fwd(table_hbm, xyzb_hbm, const_hbm, rgb_hbm, dens_hbm,
               xb_v, q_v, col_v, pos_v, idx_v, rows_v, outd_v, sem):
    wid = lax.axis_index("s") * NC + lax.axis_index("c")
    iota = lax.iota(jnp.int32, 16)
    zeroi = jnp.zeros((16,), jnp.int32)

    def init_idx(t, c):
        idx_v[pl.ds(t * 16, 16)] = zeroi
        return c
    lax.fori_loop(0, BLK * 4 // 16, init_idx, 0)

    def block_body(b, carry):
        gb = wid * NBLK + b
        base = gb * BLK
        pltpu.sync_copy(xyzb_hbm.at[gb], xb_v)
        pltpu.sync_copy(const_hbm, outd_v)

        def one_idx(j, off):
            p16 = j * 16 + iota
            x = xb_v[0, pl.ds(j * 16, 16)]
            y = xb_v[1, pl.ds(j * 16, 16)]
            z = xb_v[2, pl.ds(j * 16, 16)]
            ix = jnp.clip((x * float(NB) + float(NB // 2)).astype(jnp.int32), 0, NB - 1)
            iy = jnp.clip((y * float(NB) + float(NB // 2)).astype(jnp.int32), 0, NB - 1)
            iz = jnp.clip((z * float(NB) + float(NB // 2)).astype(jnp.int32), 0, NB - 1)
            q0 = (ix * NB + iy) * 32 + (iz >> 4)
            cond = ((jnp.abs(x) < 0.5) & (jnp.abs(y) < 0.5) & (jnp.abs(z) < 0.5))
            plsc.store_compressed(q_v.at[pl.ds(off, 16)], q0, mask=cond)
            plsc.store_compressed(col_v.at[pl.ds(off, 16)], iz & 15, mask=cond)
            plsc.store_compressed(pos_v.at[pl.ds(off, 16)], p16, mask=cond)
            n = plsc.all_reduce_population_count(cond)
            return off + n[0]

        def idx_body(jj, off):
            off = one_idx(jj * 2, off)
            return one_idx(jj * 2 + 1, off)

        ncomp = lax.fori_loop(0, BLK // 32, idx_body, jnp.int32(0))

        q_v[pl.ds(ncomp, 16)] = zeroi
        col_v[pl.ds(ncomp, 16)] = zeroi
        pos_v[pl.ds(ncomp, 16)] = jnp.full((16,), PADPOS, jnp.int32)
        npad = (ncomp + 7) & ~7
        nent = npad * 4

        def one_bld(t):
            e = t * 16 + iota
            cp = e >> 2
            q = plsc.load_gather(q_v, [cp])
            idx_v[pl.ds(t * 16, 16)] = q + (iota & 3) * 8

        def bld_body(tt, c):
            one_bld(tt * 2)
            one_bld(tt * 2 + 1)
            return c

        lax.fori_loop(0, nent >> 5, bld_body, 0)

        for i in range(NCHUNK):
            @pl.when(i * CHUNK < nent)
            def _():
                pltpu.async_copy(
                    table_hbm.at[idx_v.at[pl.ds(i * CHUNK, CHUNK)]],
                    rows_v.at[pl.ds(i * CHUNK, CHUNK), :], sem).wait()

        def one_val(t):
            e = t * 16 + iota
            cp = e >> 2
            ch = iota & 3
            kcol = plsc.load_gather(col_v, [cp])
            vals = plsc.load_gather(rows_v, [e, kcol])
            pos = plsc.load_gather(pos_v, [cp])
            sig = 1.0 / (1.0 + jnp.exp(-vals))
            rel = jnp.maximum(vals, 0.0)
            out = jnp.where(ch < 3, sig, rel)
            plsc.store_scatter(outd_v, [pos * 3 + ch], out, mask=ch < 3)
            plsc.store_scatter(outd_v, [pos + 3 * BLK], out, mask=ch == 3)

        def val_body(tt, c):
            one_val(tt * 2)
            one_val(tt * 2 + 1)
            return c

        lax.fori_loop(0, nent >> 5, val_body, 0)

        pltpu.sync_copy(outd_v.at[pl.ds(0, BLK * 3)],
                        rgb_hbm.at[pl.ds(base * 3, BLK * 3)])
        pltpu.sync_copy(outd_v.at[pl.ds(BLK * 3, BLK)],
                        dens_hbm.at[pl.ds(base, BLK)])
        return carry

    lax.fori_loop(0, NBLK, block_body, 0)


def kernel(xyz, d, voxels):
    del d
    table = voxels.transpose(0, 1, 3, 2).reshape(RT, 16)
    xyzb = (
        jnp.stack([xyz[:, 0], xyz[:, 1], xyz[:, 2]])
        .reshape(3, N_PTS // BLK, BLK)
        .transpose(1, 0, 2)
    )
    const = jnp.concatenate([
        jnp.full((BLK * 3,), 0.5, jnp.float32),
        jnp.zeros((OUTV - BLK * 3,), jnp.float32),
    ])
    rgb_flat, dens_flat = _voxel_fwd(table, xyzb, const)
    return rgb_flat.reshape(N_PTS, 3), dens_flat.reshape(N_PTS, 1)

# --- scband reference (transcript-rebuilt; emitter-appended) ---
"""Pipeline reference for scband-voxels-29403346108730 (READ-ONLY COPY).

The authoritative reference and input builder live on the scoring server;
editing this copy changes nothing except your own understanding.
"""

import jax, jax.numpy as jnp
import numpy as np

NB_VOXELS = 128
SCALE = 1.0
N_PTS = 1048576


def setup_inputs(seed: int = 0) -> dict:
    key = jax.random.key(seed)
    k1, k2, k3 = jax.random.split(key, 3)
    # xyz in [0, 1): points with coord < scale/2 on all axes pass the bounds test
    xyz = jax.random.uniform(k1, (N_PTS, 3), dtype=jnp.float32)
    d = jax.random.normal(k2, (N_PTS, 3), dtype=jnp.float32)
    # learned parameter: dense voxel grid [nb, nb, nb, 4] initialized U[0,1) like torch.rand
    voxels = jax.random.uniform(k3, (NB_VOXELS, NB_VOXELS, NB_VOXELS, 4), dtype=jnp.float32)
    return {"xyz": xyz, "d": d, "voxels": voxels}


def reference(xyz, d, voxels):
    nb = NB_VOXELS
    scale = SCALE
    x = xyz[:, 0]
    y = xyz[:, 1]
    z = xyz[:, 2]
    cond = (jnp.abs(x) < scale / 2) & (jnp.abs(y) < scale / 2) & (jnp.abs(z) < scale / 2)
    # torch computes indices only for in-bounds points; here we compute for all and
    # clip (out-of-bounds points are zeroed below, so clipping does not change results)
    indx = jnp.clip((x / (scale / nb) + nb / 2).astype(jnp.int32), 0, nb - 1)
    indy = jnp.clip((y / (scale / nb) + nb / 2).astype(jnp.int32), 0, nb - 1)
    indz = jnp.clip((z / (scale / nb) + nb / 2).astype(jnp.int32), 0, nb - 1)
    vals = voxels[indx, indy, indz]  # gather: [N, 4]
    colors_and_densities = jnp.where(cond[:, None], vals, 0.0)
    return (jax.nn.sigmoid(colors_and_densities[:, :3]),
            jax.nn.relu(colors_and_densities[:, -1:]))

if __name__ == "__main__":
    import jax
    _d = setup_inputs()
    print(jax.jit(kernel)(*tuple(_d.values())))

</pallas_src>

<mosaic_0001>
#map = affine_map<(d0, d1) -> (0, 0)>
#map1 = affine_map<(d0, d1) -> (0, 0, 0)>
#map2 = affine_map<(d0, d1) -> (0)>
module attributes {stable_mosaic.version = 14 : i64} {
  func.func @_voxel_fwd(%arg0: i32, %arg1: i32, %arg2: memref<524288x16xf32, #tpu.memory_space<hbm>>, %arg3: memref<1024x3x1024xf32, #tpu.memory_space<hbm>>, %arg4: memref<4608xf32, #tpu.memory_space<hbm>>, %arg5: memref<3145728xf32, #tpu.memory_space<hbm>>, %arg6: memref<1048576xf32, #tpu.memory_space<hbm>>, %arg7: memref<3x1024xf32, #tpu.memory_space<vmem>>, %arg8: memref<1040xi32, #tpu.memory_space<vmem>>, %arg9: memref<1040xi32, #tpu.memory_space<vmem>>, %arg10: memref<1040xi32, #tpu.memory_space<vmem>>, %arg11: memref<4096xi32, #tpu.memory_space<vmem>>, %arg12: memref<4096x16xf32, #tpu.memory_space<vmem>>, %arg13: memref<4608xf32, #tpu.memory_space<vmem>>, %arg14: memref<!tpu.dma_semaphore, #tpu.memory_space<semaphore_mem>>) attributes {dimension_semantics = [#tpu.dimension_semantics<core_parallel>, #tpu.dimension_semantics<subcore_parallel>], iteration_bounds = array<i64: 2, 16>, scalar_prefetch = 0 : i64, scratch_operands = 8 : i64, tpu.core_type = #tpu.core_type<sc_vector_subcore>, window_params = [{transform_indices = #map}, {transform_indices = #map1}, {transform_indices = #map2}, {transform_indices = #map2}, {transform_indices = #map2}]} {
    %mul3A = arith.constant 2 : i32
    %mul3A_0 = arith.muli %arg1, %mul3A : i32
    %add3A = arith.addi %mul3A_0, %arg0 : i32
    %iota3A = tpu.iota {dimensions = array<i32: 0>} : vector<16xi32>
    %broadcast_in_dim3A = arith.constant 0 : i32
    %broadcast_in_dim3A_1 = vector.broadcast %broadcast_in_dim3A : i32 to vector<16xi32>
    %scan3A = arith.constant 0 : i32
    %scan3A_2 = arith.constant 0 : i32
    %scan3A_3 = arith.constant 256 : i32
    %scan3A_4 = arith.addi %scan3A_2, %scan3A_3 : i32
    %scan3A_5 = arith.constant 1 : i32
    scf.for %scan3A_13 = %scan3A_2 to %scan3A_4 step %scan3A_5  : i32 {
      %mul3A_14 = arith.constant 16 : i32
      %mul3A_15 = arith.muli %scan3A_13, %mul3A_14 : i32
      %swap3A = arith.index_cast %mul3A_15 : i32 to index
      %swap3A_16 = tpu.vector_load %arg11[%swap3A] {strides = array<i32>} : memref<4096xi32, #tpu.memory_space<vmem>>, vector<16xi32>,
      tpu.vector_store %arg11[%swap3A], %broadcast_in_dim3A_1 {strides = array<i32>} : memref<4096xi32, #tpu.memory_space<vmem>>, vector<16xi32>,
    }
    %scan3A_6 = arith.constant 256 : i32
    %scan3A_7 = arith.constant 0 : i32
    %scan3A_8 = arith.constant 0 : i32
    %scan3A_9 = arith.constant 32 : i32
    %scan3A_10 = arith.addi %scan3A_8, %scan3A_9 : i32
    %scan3A_11 = arith.constant 1 : i32
    scf.for %scan3A_13 = %scan3A_8 to %scan3A_10 step %scan3A_11  : i32 {
      %mul3A_14 = arith.constant 32 : i32
      %mul3A_15 = arith.muli %add3A, %mul3A_14 : i32
      %add3A_16 = arith.addi %mul3A_15, %scan3A_13 : i32
      %mul3A_17 = arith.constant 1024 : i32
      %mul3A_18 = arith.muli %add3A_16, %mul3A_17 : i32
      "tpu.region"() ({
        %run_scoped3A = tpu.sem_alloc : memref<!tpu.dma_semaphore, #tpu.memory_space<semaphore_mem>>
        %dma_start3A = arith.constant 0 : i32
        %dma_start3A_99 = arith.constant 0 : i32
        %dma_start3A_100 = tpu.memref_slice %arg3[%add3A_16, %dma_start3A, %dma_start3A_99] : memref<1024x3x1024xf32, #tpu.memory_space<hbm>> -> memref<1x3x1024xf32, #tpu.memory_space<hbm>>
        %dma_start3A_101 = tpu.memref_squeeze %dma_start3A_100 : memref<1x3x1024xf32, #tpu.memory_space<hbm>> -> memref<3x1024xf32, #tpu.memory_space<hbm>>
        %dma_start3A_102 = arith.constant 0 : i32
        %dma_start3A_103 = arith.constant 0 : i32
        %dma_start3A_104 = tpu.memref_slice %arg3[%add3A_16, %dma_start3A_102, %dma_start3A_103] : memref<1024x3x1024xf32, #tpu.memory_space<hbm>> -> memref<1x3x1024xf32, #tpu.memory_space<hbm>>
        %dma_start3A_105 = tpu.memref_squeeze %dma_start3A_104 : memref<1x3x1024xf32, #tpu.memory_space<hbm>> -> memref<3x1024xf32, #tpu.memory_space<hbm>>
        tpu.enqueue_dma source(%dma_start3A_105 : memref<3x1024xf32, #tpu.memory_space<hbm>>) target(%arg7 : memref<3x1024xf32, #tpu.memory_space<vmem>>) target_semaphore(%run_scoped3A : memref<!tpu.dma_semaphore, #tpu.memory_space<semaphore_mem>>)
        %dma_wait3A = arith.constant 0 : i32
        %dma_wait3A_106 = arith.constant 0 : i32
        %dma_wait3A_107 = tpu.memref_slice %arg3[%add3A_16, %dma_wait3A, %dma_wait3A_106] : memref<1024x3x1024xf32, #tpu.memory_space<hbm>> -> memref<1x3x1024xf32, #tpu.memory_space<hbm>>
        %dma_wait3A_108 = tpu.memref_squeeze %dma_wait3A_107 : memref<1x3x1024xf32, #tpu.memory_space<hbm>> -> memref<3x1024xf32, #tpu.memory_space<hbm>>
        %dma_wait3A_109 = arith.constant 0 : i32
        %dma_wait3A_110 = arith.constant 0 : i32
        %dma_wait3A_111 = tpu.memref_slice %arg3[%add3A_16, %dma_wait3A_109, %dma_wait3A_110] : memref<1024x3x1024xf32, #tpu.memory_space<hbm>> -> memref<1x3x1024xf32, #tpu.memory_space<hbm>>
        %dma_wait3A_112 = tpu.memref_squeeze %dma_wait3A_111 : memref<1x3x1024xf32, #tpu.memory_space<hbm>> -> memref<3x1024xf32, #tpu.memory_space<hbm>>
        tpu.wait_dma2 semaphore(%run_scoped3A : memref<!tpu.dma_semaphore, #tpu.memory_space<semaphore_mem>>) src(%dma_wait3A_112 : memref<3x1024xf32, #tpu.memory_space<hbm>>) dst(%arg7 : memref<3x1024xf32, #tpu.memory_space<vmem>>)
        tpu.yield
      }) : () -> ()
      "tpu.region"() ({
        %run_scoped3A = tpu.sem_alloc : memref<!tpu.dma_semaphore, #tpu.memory_space<semaphore_mem>>
        tpu.enqueue_dma source(%arg4 : memref<4608xf32, #tpu.memory_space<hbm>>) target(%arg13 : memref<4608xf32, #tpu.memory_space<vmem>>) target_semaphore(%run_scoped3A : memref<!tpu.dma_semaphore, #tpu.memory_space<semaphore_mem>>)
        tpu.wait_dma2 semaphore(%run_scoped3A : memref<!tpu.dma_semaphore, #tpu.memory_space<semaphore_mem>>) src(%arg4 : memref<4608xf32, #tpu.memory_space<hbm>>) dst(%arg13 : memref<4608xf32, #tpu.memory_space<vmem>>)
        tpu.yield
      }) : () -> ()
      %scan3A_19 = arith.constant 0 : i32
      %scan3A_20 = arith.constant 0 : i32
      %scan3A_21 = arith.constant 32 : i32
      %scan3A_22 = arith.addi %scan3A_20, %scan3A_21 : i32
      %scan3A_23 = arith.constant 1 : i32
      %scan3A_24 = scf.for %scan3A_99 = %scan3A_20 to %scan3A_22 step %scan3A_23 iter_args(%scan3A_100 = %scan3A_19) -> (i32)  : i32 {
        %mul3A_101 = arith.constant 2 : i32
        %mul3A_102 = arith.muli %scan3A_99, %mul3A_101 : i32
        %mul3A_103 = arith.constant 16 : i32
        %mul3A_104 = arith.muli %mul3A_102, %mul3A_103 : i32
        %add3A_105 = vector.broadcast %mul3A_104 : i32 to vector<16xi32>
        %add3A_106 = arith.addi %add3A_105, %iota3A : vector<16xi32>
        %mul3A_107 = arith.constant 16 : i32
        %mul3A_108 = arith.muli %mul3A_102, %mul3A_107 : i32
        %get3A = arith.constant 0 : i32
        %get3A_109 = arith.index_cast %get3A : i32 to index
        %get3A_110 = arith.index_cast %mul3A_108 : i32 to index
        %get3A_111 = tpu.vector_load %arg7[%get3A_109, %get3A_110] {strides = array<i32>} : memref<3x1024xf32, #tpu.memory_space<vmem>>, vector<16xf32>,
        %mul3A_112 = arith.constant 16 : i32
        %mul3A_113 = arith.muli %mul3A_102, %mul3A_112 : i32
        %get3A_114 = arith.constant 1 : i32
        %get3A_115 = arith.index_cast %get3A_114 : i32 to index
        %get3A_116 = arith.index_cast %mul3A_113 : i32 to index
        %get3A_117 = tpu.vector_load %arg7[%get3A_115, %get3A_116] {strides = array<i32>} : memref<3x1024xf32, #tpu.memory_space<vmem>>, vector<16xf32>,
        %mul3A_118 = arith.constant 16 : i32
        %mul3A_119 = arith.muli %mul3A_102, %mul3A_118 : i32
        %get3A_120 = arith.constant 2 : i32
        %get3A_121 = arith.index_cast %get3A_120 : i32 to index
        %get3A_122 = arith.index_cast %mul3A_119 : i32 to index
        %get3A_123 = tpu.vector_load %arg7[%get3A_121, %get3A_122] {strides = array<i32>} : memref<3x1024xf32, #tpu.memory_space<vmem>>, vector<16xf32>,
        %mul3A_124 = arith.constant 1.280000e+02 : f32
        %mul3A_125 = vector.broadcast %mul3A_124 : f32 to vector<16xf32>
        %mul3A_126 = arith.mulf %get3A_111, %mul3A_125 : vector<16xf32>
        %add3A_127 = arith.constant 6.400000e+01 : f32
        %add3A_128 = vector.broadcast %add3A_127 : f32 to vector<16xf32>
        %add3A_129 = arith.addf %mul3A_126, %add3A_128 : vector<16xf32>
        %convert_element_type3A_130 = arith.fptosi %add3A_129 : vector<16xf32> to vector<16xi32>
        %jit3A = arith.constant 0 : i32
        %jit3A_131 = arith.constant 127 : i32
        %max3A = vector.broadcast %jit3A : i32 to vector<16xi32>
        %max3A_132 = arith.maxsi %max3A, %convert_element_type3A_130 : vector<16xi32>
        %min3A = vector.broadcast %jit3A_131 : i32 to vector<16xi32>
        %min3A_133 = arith.minsi %min3A, %max3A_132 : vector<16xi32>
        %mul3A_134 = arith.constant 1.280000e+02 : f32
        %mul3A_135 = vector.broadcast %mul3A_134 : f32 to vector<16xf32>
        %mul3A_136 = arith.mulf %get3A_117, %mul3A_135 : vector<16xf32>
        %add3A_137 = arith.constant 6.400000e+01 : f32
        %add3A_138 = vector.broadcast %add3A_137 : f32 to vector<16xf32>
        %add3A_139 = arith.addf %mul3A_136, %add3A_138 : vector<16xf32>
        %convert_element_type3A_140 = arith.fptosi %add3A_139 : vector<16xf32> to vector<16xi32>
        %jit3A_141 = arith.constant 0 : i32
        %jit3A_142 = arith.constant 127 : i32
        %max3A_143 = vector.broadcast %jit3A_141 : i32 to vector<16xi32>
        %max3A_144 = arith.maxsi %max3A_143, %convert_element_type3A_140 : vector<16xi32>
        %min3A_145 = vector.broadcast %jit3A_142 : i32 to vector<16xi32>
        %min3A_146 = arith.minsi %min3A_145, %max3A_144 : vector<16xi32>
        %mul3A_147 = arith.constant 1.280000e+02 : f32
        %mul3A_148 = vector.broadcast %mul3A_147 : f32 to vector<16xf32>
        %mul3A_149 = arith.mulf %get3A_123, %mul3A_148 : vector<16xf32>
        %add3A_150 = arith.constant 6.400000e+01 : f32
        %add3A_151 = vector.broadcast %add3A_150 : f32 to vector<16xf32>
        %add3A_152 = arith.addf %mul3A_149, %add3A_151 : vector<16xf32>
        %convert_element_type3A_153 = arith.fptosi %add3A_152 : vector<16xf32> to vector<16xi32>
        %jit3A_154 = arith.constant 0 : i32
        %jit3A_155 = arith.constant 127 : i32
        %max3A_156 = vector.broadcast %jit3A_154 : i32 to vector<16xi32>
        %max3A_157 = arith.maxsi %max3A_156, %convert_element_type3A_153 : vector<16xi32>
        %min3A_158 = vector.broadcast %jit3A_155 : i32 to vector<16xi32>
        %min3A_159 = arith.minsi %min3A_158, %max3A_157 : vector<16xi32>
        %mul3A_160 = arith.constant 128 : i32
        %mul3A_161 = vector.broadcast %mul3A_160 : i32 to vector<16xi32>
        %mul3A_162 = arith.muli %min3A_133, %mul3A_161 : vector<16xi32>
        %add3A_163 = arith.addi %mul3A_162, %min3A_146 : vector<16xi32>
        %mul3A_164 = arith.constant 32 : i32
        %mul3A_165 = vector.broadcast %mul3A_164 : i32 to vector<16xi32>
        %mul3A_166 = arith.muli %add3A_163, %mul3A_165 : vector<16xi32>
        %shift_right_arithmetic3A_167 = arith.constant 4 : i32
        %shift_right_arithmetic3A_168 = vector.broadcast %shift_right_arithmetic3A_167 : i32 to vector<16xi32>
        %shift_right_arithmetic3A_169 = arith.shrsi %min3A_159, %shift_right_arithmetic3A_168 : vector<16xi32>
        %add3A_170 = arith.addi %mul3A_166, %shift_right_arithmetic3A_169 : vector<16xi32>
        %abs3A = math.absf %get3A_111 : vector<16xf32>
        %lt3A = arith.constant 5.000000e-01 : f32
        %lt3A_171 = vector.broadcast %lt3A : f32 to vector<16xf32>
        %lt3A_172 = arith.cmpf olt, %abs3A, %lt3A_171 : vector<16xf32>
        %abs3A_173 = math.absf %get3A_117 : vector<16xf32>
        %lt3A_174 = arith.constant 5.000000e-01 : f32
        %lt3A_175 = vector.broadcast %lt3A_174 : f32 to vector<16xf32>
        %lt3A_176 = arith.cmpf olt, %abs3A_173, %lt3A_175 : vector<16xf32>
        %and3A_177 = arith.andi %lt3A_172, %lt3A_176 : vector<16xi1>
        %abs3A_178 = math.absf %get3A_123 : vector<16xf32>
        %lt3A_179 = arith.constant 5.000000e-01 : f32
        %lt3A_180 = vector.broadcast %lt3A_179 : f32 to vector<16xf32>
        %lt3A_181 = arith.cmpf olt, %abs3A_178, %lt3A_180 : vector<16xf32>
        %and3A_182 = arith.andi %and3A_177, %lt3A_181 : vector<16xi1>
        %swap3A_183 = arith.index_cast %scan3A_100 : i32 to index
        %swap3A_184 = tpu.vector_load %arg8[%swap3A_183] masked %and3A_182 {strides = array<i32>} : memref<1040xi32, #tpu.memory_space<vmem>>, vector<16xi32>, vector<16xi1>
        tpu.vector_store %arg8[%swap3A_183], %add3A_170 masked %and3A_182 {strides = array<i32>} : memref<1040xi32, #tpu.memory_space<vmem>>, vector<16xi32>, vector<16xi1>
        %and3A_185 = arith.constant 15 : i32
        %and3A_186 = vector.broadcast %and3A_185 : i32 to vector<16xi32>
        %and3A_187 = arith.andi %min3A_159, %and3A_186 : vector<16xi32>
        %swap3A_188 = arith.index_cast %scan3A_100 : i32 to index
        %swap3A_189 = tpu.vector_load %arg9[%swap3A_188] masked %and3A_182 {strides = array<i32>} : memref<1040xi32, #tpu.memory_space<vmem>>, vector<16xi32>, vector<16xi1>
        tpu.vector_store %arg9[%swap3A_188], %and3A_187 masked %and3A_182 {strides = array<i32>} : memref<1040xi32, #tpu.memory_space<vmem>>, vector<16xi32>, vector<16xi1>
        %swap3A_190 = arith.index_cast %scan3A_100 : i32 to index
        %swap3A_191 = tpu.vector_load %arg10[%swap3A_190] masked %and3A_182 {strides = array<i32>} : memref<1040xi32, #tpu.memory_space<vmem>>, vector<16xi32>, vector<16xi1>
        tpu.vector_store %arg10[%swap3A_190], %add3A_106 masked %and3A_182 {strides = array<i32>} : memref<1040xi32, #tpu.memory_space<vmem>>, vector<16xi32>, vector<16xi1>
        %all_reduce_population_count3A = tpu.all_reduce %and3A_182 {dim = 0 : i64, kind = #tpu.reduction_kind<sum>} : vector<16xi1> -> vector<16xi32>
        %slice3A = vector.extract_strided_slice %all_reduce_population_count3A {offsets = [0], sizes = [1], strides = [1]} : vector<16xi32> to vector<1xi32>
        %squeeze3A = vector.extract %slice3A[0] : i32 from vector<1xi32>
        %add3A_192 = arith.addi %scan3A_100, %squeeze3A : i32
        %mul3A_193 = arith.constant 2 : i32
        %mul3A_194 = arith.muli %scan3A_99, %mul3A_193 : i32
        %add3A_195 = arith.constant 1 : i32
        %add3A_196 = arith.addi %mul3A_194, %add3A_195 : i32
        %mul3A_197 = arith.constant 16 : i32
        %mul3A_198 = arith.muli %add3A_196, %mul3A_197 : i32
        %add3A_199 = vector.broadcast %mul3A_198 : i32 to vector<16xi32>
        %add3A_200 = arith.addi %add3A_199, %iota3A : vector<16xi32>
        %mul3A_201 = arith.constant 16 : i32
        %mul3A_202 = arith.muli %add3A_196, %mul3A_201 : i32
        %get3A_203 = arith.constant 0 : i32
        %get3A_204 = arith.index_cast %get3A_203 : i32 to index
        %get3A_205 = arith.index_cast %mul3A_202 : i32 to index
        %get3A_206 = tpu.vector_load %arg7[%get3A_204, %get3A_205] {strides = array<i32>} : memref<3x1024xf32, #tpu.memory_space<vmem>>, vector<16xf32>,
        %mul3A_207 = arith.constant 16 : i32
        %mul3A_208 = arith.muli %add3A_196, %mul3A_207 : i32
        %get3A_209 = arith.constant 1 : i32
        %get3A_210 = arith.index_cast %get3A_209 : i32 to index
        %get3A_211 = arith.index_cast %mul3A_208 : i32 to index
        %get3A_212 = tpu.vector_load %arg7[%get3A_210, %get3A_211] {strides = array<i32>} : memref<3x1024xf32, #tpu.memory_space<vmem>>, vector<16xf32>,
        %mul3A_213 = arith.constant 16 : i32
        %mul3A_214 = arith.muli %add3A_196, %mul3A_213 : i32
        %get3A_215 = arith.constant 2 : i32
        %get3A_216 = arith.index_cast %get3A_215 : i32 to index
        %get3A_217 = arith.index_cast %mul3A_214 : i32 to index
        %get3A_218 = tpu.vector_load %arg7[%get3A_216, %get3A_217] {strides = array<i32>} : memref<3x1024xf32, #tpu.memory_space<vmem>>, vector<16xf32>,
        %mul3A_219 = arith.constant 1.280000e+02 : f32
        %mul3A_220 = vector.broadcast %mul3A_219 : f32 to vector<16xf32>
        %mul3A_221 = arith.mulf %get3A_206, %mul3A_220 : vector<16xf32>
        %add3A_222 = arith.constant 6.400000e+01 : f32
        %add3A_223 = vector.broadcast %add3A_222 : f32 to vector<16xf32>
        %add3A_224 = arith.addf %mul3A_221, %add3A_223 : vector<16xf32>
        %convert_element_type3A_225 = arith.fptosi %add3A_224 : vector<16xf32> to vector<16xi32>
        %jit3A_226 = arith.constant 0 : i32
        %jit3A_227 = arith.constant 127 : i32
        %max3A_228 = vector.broadcast %jit3A_226 : i32 to vector<16xi32>
        %max3A_229 = arith.maxsi %max3A_228, %convert_element_type3A_225 : vector<16xi32>
        %min3A_230 = vector.broadcast %jit3A_227 : i32 to vector<16xi32>
        %min3A_231 = arith.minsi %min3A_230, %max3A_229 : vector<16xi32>
        %mul3A_232 = arith.constant 1.280000e+02 : f32
        %mul3A_233 = vector.broadcast %mul3A_232 : f32 to vector<16xf32>
        %mul3A_234 = arith.mulf %get3A_212, %mul3A_233 : vector<16xf32>
        %add3A_235 = arith.constant 6.400000e+01 : f32
        %add3A_236 = vector.broadcast %add3A_235 : f32 to vector<16xf32>
        %add3A_237 = arith.addf %mul3A_234, %add3A_236 : vector<16xf32>
        %convert_element_type3A_238 = arith.fptosi %add3A_237 : vector<16xf32> to vector<16xi32>
        %jit3A_239 = arith.constant 0 : i32
        %jit3A_240 = arith.constant 127 : i32
        %max3A_241 = vector.broadcast %jit3A_239 : i32 to vector<16xi32>
        %max3A_242 = arith.maxsi %max3A_241, %convert_element_type3A_238 : vector<16xi32>
        %min3A_243 = vector.broadcast %jit3A_240 : i32 to vector<16xi32>
        %min3A_244 = arith.minsi %min3A_243, %max3A_242 : vector<16xi32>
        %mul3A_245 = arith.constant 1.280000e+02 : f32
        %mul3A_246 = vector.broadcast %mul3A_245 : f32 to vector<16xf32>
        %mul3A_247 = arith.mulf %get3A_218, %mul3A_246 : vector<16xf32>
        %add3A_248 = arith.constant 6.400000e+01 : f32
        %add3A_249 = vector.broadcast %add3A_248 : f32 to vector<16xf32>
        %add3A_250 = arith.addf %mul3A_247, %add3A_249 : vector<16xf32>
        %convert_element_type3A_251 = arith.fptosi %add3A_250 : vector<16xf32> to vector<16xi32>
        %jit3A_252 = arith.constant 0 : i32
        %jit3A_253 = arith.constant 127 : i32
        %max3A_254 = vector.broadcast %jit3A_252 : i32 to vector<16xi32>
        %max3A_255 = arith.maxsi %max3A_254, %convert_element_type3A_251 : vector<16xi32>
        %min3A_256 = vector.broadcast %jit3A_253 : i32 to vector<16xi32>
        %min3A_257 = arith.minsi %min3A_256, %max3A_255 : vector<16xi32>
        %mul3A_258 = arith.constant 128 : i32
        %mul3A_259 = vector.broadcast %mul3A_258 : i32 to vector<16xi32>
        %mul3A_260 = arith.muli %min3A_231, %mul3A_259 : vector<16xi32>
        %add3A_261 = arith.addi %mul3A_260, %min3A_244 : vector<16xi32>
        %mul3A_262 = arith.constant 32 : i32
        %mul3A_263 = vector.broadcast %mul3A_262 : i32 to vector<16xi32>
        %mul3A_264 = arith.muli %add3A_261, %mul3A_263 : vector<16xi32>
        %shift_right_arithmetic3A_265 = arith.constant 4 : i32
        %shift_right_arithmetic3A_266 = vector.broadcast %shift_right_arithmetic3A_265 : i32 to vector<16xi32>
        %shift_right_arithmetic3A_267 = arith.shrsi %min3A_257, %shift_right_arithmetic3A_266 : vector<16xi32>
        %add3A_268 = arith.addi %mul3A_264, %shift_right_arithmetic3A_267 : vector<16xi32>
        %abs3A_269 = math.absf %get3A_206 : vector<16xf32>
        %lt3A_270 = arith.constant 5.000000e-01 : f32
        %lt3A_271 = vector.broadcast %lt3A_270 : f32 to vector<16xf32>
        %lt3A_272 = arith.cmpf olt, %abs3A_269, %lt3A_271 : vector<16xf32>
        %abs3A_273 = math.absf %get3A_212 : vector<16xf32>
        %lt3A_274 = arith.constant 5.000000e-01 : f32
        %lt3A_275 = vector.broadcast %lt3A_274 : f32 to vector<16xf32>
        %lt3A_276 = arith.cmpf olt, %abs3A_273, %lt3A_275 : vector<16xf32>
        %and3A_277 = arith.andi %lt3A_272, %lt3A_276 : vector<16xi1>
        %abs3A_278 = math.absf %get3A_218 : vector<16xf32>
        %lt3A_279 = arith.constant 5.000000e-01 : f32
        %lt3A_280 = vector.broadcast %lt3A_279 : f32 to vector<16xf32>
        %lt3A_281 = arith.cmpf olt, %abs3A_278, %lt3A_280 : vector<16xf32>
        %and3A_282 = arith.andi %and3A_277, %lt3A_281 : vector<16xi1>
        %swap3A_283 = arith.index_cast %add3A_192 : i32 to index
        %swap3A_284 = tpu.vector_load %arg8[%swap3A_283] masked %and3A_282 {strides = array<i32>} : memref<1040xi32, #tpu.memory_space<vmem>>, vector<16xi32>, vector<16xi1>
        tpu.vector_store %arg8[%swap3A_283], %add3A_268 masked %and3A_282 {strides = array<i32>} : memref<1040xi32, #tpu.memory_space<vmem>>, vector<16xi32>, vector<16xi1>
        %and3A_285 = arith.constant 15 : i32
        %and3A_286 = vector.broadcast %and3A_285 : i32 to vector<16xi32>
        %and3A_287 = arith.andi %min3A_257, %and3A_286 : vector<16xi32>
        %swap3A_288 = arith.index_cast %add3A_192 : i32 to index
        %swap3A_289 = tpu.vector_load %arg9[%swap3A_288] masked %and3A_282 {strides = array<i32>} : memref<1040xi32, #tpu.memory_space<vmem>>, vector<16xi32>, vector<16xi1>
        tpu.vector_store %arg9[%swap3A_288], %and3A_287 masked %and3A_282 {strides = array<i32>} : memref<1040xi32, #tpu.memory_space<vmem>>, vector<16xi32>, vector<16xi1>
        %swap3A_290 = arith.index_cast %add3A_192 : i32 to index
        %swap3A_291 = tpu.vector_load %arg10[%swap3A_290] masked %and3A_282 {strides = array<i32>} : memref<1040xi32, #tpu.memory_space<vmem>>, vector<16xi32>, vector<16xi1>
        tpu.vector_store %arg10[%swap3A_290], %add3A_200 masked %and3A_282 {strides = array<i32>} : memref<1040xi32, #tpu.memory_space<vmem>>, vector<16xi32>, vector<16xi1>
        %all_reduce_population_count3A_292 = tpu.all_reduce %and3A_282 {dim = 0 : i64, kind = #tpu.reduction_kind<sum>} : vector<16xi1> -> vector<16xi32>
        %slice3A_293 = vector.extract_strided_slice %all_reduce_population_count3A_292 {offsets = [0], sizes = [1], strides = [1]} : vector<16xi32> to vector<1xi32>
        %squeeze3A_294 = vector.extract %slice3A_293[0] : i32 from vector<1xi32>
        %add3A_295 = arith.addi %add3A_192, %squeeze3A_294 : i32
        scf.yield %add3A_295 : i32
      }
      %scan3A_25 = arith.constant 32 : i32
      %swap3A = arith.index_cast %scan3A_24 : i32 to index
      %swap3A_26 = tpu.vector_load %arg8[%swap3A] {strides = array<i32>} : memref<1040xi32, #tpu.memory_space<vmem>>, vector<16xi32>,
      tpu.vector_store %arg8[%swap3A], %broadcast_in_dim3A_1 {strides = array<i32>} : memref<1040xi32, #tpu.memory_space<vmem>>, vector<16xi32>,
      %swap3A_27 = arith.index_cast %scan3A_24 : i32 to index
      %swap3A_28 = tpu.vector_load %arg9[%swap3A_27] {strides = array<i32>} : memref<1040xi32, #tpu.memory_space<vmem>>, vector<16xi32>,
      tpu.vector_store %arg9[%swap3A_27], %broadcast_in_dim3A_1 {strides = array<i32>} : memref<1040xi32, #tpu.memory_space<vmem>>, vector<16xi32>,
      %broadcast_in_dim3A_29 = arith.constant 1376 : i32
      %broadcast_in_dim3A_30 = vector.broadcast %broadcast_in_dim3A_29 : i32 to vector<16xi32>
      %swap3A_31 = arith.index_cast %scan3A_24 : i32 to index
      %swap3A_32 = tpu.vector_load %arg10[%swap3A_31] {strides = array<i32>} : memref<1040xi32, #tpu.memory_space<vmem>>, vector<16xi32>,
      tpu.vector_store %arg10[%swap3A_31], %broadcast_in_dim3A_30 {strides = array<i32>} : memref<1040xi32, #tpu.memory_space<vmem>>, vector<16xi32>,
      %add3A_33 = arith.constant 7 : i32
      %add3A_34 = arith.addi %scan3A_24, %add3A_33 : i32
      %and3A = arith.constant -8 : i32
      %and3A_35 = arith.andi %add3A_34, %and3A : i32
      %mul3A_36 = arith.constant 4 : i32
      %mul3A_37 = arith.muli %and3A_35, %mul3A_36 : i32
      %shift_right_arithmetic3A = arith.constant 5 : i32
      %shift_right_arithmetic3A_38 = arith.shrsi %mul3A_37, %shift_right_arithmetic3A : i32
      %while3A = arith.constant 0 : i32
      %while3A_39 = arith.constant 0 : i32
      %while3A_40 = arith.subi %shift_right_arithmetic3A_38, %while3A_39 : i32
      %while3A_41 = arith.addi %while3A_39, %while3A_40 : i32
      %while3A_42 = arith.constant 1 : i32
      %while3A_43 = arith.divsi %while3A_40, %while3A_42 : i32
      %while3A_44 = arith.muli %while3A_43, %while3A_42 : i32
      %while3A_45 = arith.addi %while3A_39, %while3A_44 : i32
      %while3A_46 = arith.constant 1 : i32
      scf.for %while3A_99 = %while3A_39 to %while3A_45 step %while3A_46  : i32 {
        %mul3A_100 = arith.constant 2 : i32
        %mul3A_101 = arith.muli %while3A_99, %mul3A_100 : i32
        %mul3A_102 = arith.constant 16 : i32
        %mul3A_103 = arith.muli %mul3A_101, %mul3A_102 : i32
        %add3A_104 = vector.broadcast %mul3A_103 : i32 to vector<16xi32>
        %add3A_105 = arith.addi %add3A_104, %iota3A : vector<16xi32>
        %shift_right_arithmetic3A_106 = arith.constant 2 : i32
        %shift_right_arithmetic3A_107 = vector.broadcast %shift_right_arithmetic3A_106 : i32 to vector<16xi32>
        %shift_right_arithmetic3A_108 = arith.shrsi %add3A_105, %shift_right_arithmetic3A_107 : vector<16xi32>
        %gather3A = tpu.vector_load_idx %arg8[%shift_right_arithmetic3A_108] : memref<1040xi32, #tpu.memory_space<vmem>>[vector<16xi32>], vector<16xi32>,
        %and3A_109 = arith.constant 3 : i32
        %and3A_110 = vector.broadcast %and3A_109 : i32 to vector<16xi32>
        %and3A_111 = arith.andi %iota3A, %and3A_110 : vector<16xi32>
        %mul3A_112 = arith.constant 8 : i32
        %mul3A_113 = vector.broadcast %mul3A_112 : i32 to vector<16xi32>
        %mul3A_114 = arith.muli %and3A_111, %mul3A_113 : vector<16xi32>
        %add3A_115 = arith.addi %gather3A, %mul3A_114 : vector<16xi32>
        %mul3A_116 = arith.constant 16 : i32
        %mul3A_117 = arith.muli %mul3A_101, %mul3A_116 : i32
        %swap3A_118 = arith.index_cast %mul3A_117 : i32 to index
        %swap3A_119 = tpu.vector_load %arg11[%swap3A_118] {strides = array<i32>} : memref<4096xi32, #tpu.memory_space<vmem>>, vector<16xi32>,
        tpu.vector_store %arg11[%swap3A_118], %add3A_115 {strides = array<i32>} : memref<4096xi32, #tpu.memory_space<vmem>>, vector<16xi32>,
        %mul3A_120 = arith.constant 2 : i32
        %mul3A_121 = arith.muli %while3A_99, %mul3A_120 : i32
        %add3A_122 = arith.constant 1 : i32
        %add3A_123 = arith.addi %mul3A_121, %add3A_122 : i32
        %mul3A_124 = arith.constant 16 : i32
        %mul3A_125 = arith.muli %add3A_123, %mul3A_124 : i32
        %add3A_126 = vector.broadcast %mul3A_125 : i32 to vector<16xi32>
        %add3A_127 = arith.addi %add3A_126, %iota3A : vector<16xi32>
        %shift_right_arithmetic3A_128 = arith.constant 2 : i32
        %shift_right_arithmetic3A_129 = vector.broadcast %shift_right_arithmetic3A_128 : i32 to vector<16xi32>
        %shift_right_arithmetic3A_130 = arith.shrsi %add3A_127, %shift_right_arithmetic3A_129 : vector<16xi32>
        %gather3A_131 = tpu.vector_load_idx %arg8[%shift_right_arithmetic3A_130] : memref<1040xi32, #tpu.memory_space<vmem>>[vector<16xi32>], vector<16xi32>,
        %and3A_132 = arith.constant 3 : i32
        %and3A_133 = vector.broadcast %and3A_132 : i32 to vector<16xi32>
        %and3A_134 = arith.andi %iota3A, %and3A_133 : vector<16xi32>
        %mul3A_135 = arith.constant 8 : i32
        %mul3A_136 = vector.broadcast %mul3A_135 : i32 to vector<16xi32>
        %mul3A_137 = arith.muli %and3A_134, %mul3A_136 : vector<16xi32>
        %add3A_138 = arith.addi %gather3A_131, %mul3A_137 : vector<16xi32>
        %mul3A_139 = arith.constant 16 : i32
        %mul3A_140 = arith.muli %add3A_123, %mul3A_139 : i32
        %swap3A_141 = arith.index_cast %mul3A_140 : i32 to index
        %swap3A_142 = tpu.vector_load %arg11[%swap3A_141] {strides = array<i32>} : memref<4096xi32, #tpu.memory_space<vmem>>, vector<16xi32>,
        tpu.vector_store %arg11[%swap3A_141], %add3A_138 {strides = array<i32>} : memref<4096xi32, #tpu.memory_space<vmem>>, vector<16xi32>,
      }
      %while3A_47 = arith.constant 1 : i32
      scf.for %while3A_99 = %while3A_45 to %while3A_41 step %while3A_47  : i32 {
        %mul3A_100 = arith.constant 2 : i32
        %mul3A_101 = arith.muli %while3A_99, %mul3A_100 : i32
        %mul3A_102 = arith.constant 16 : i32
        %mul3A_103 = arith.muli %mul3A_101, %mul3A_102 : i32
        %add3A_104 = vector.broadcast %mul3A_103 : i32 to vector<16xi32>
        %add3A_105 = arith.addi %add3A_104, %iota3A : vector<16xi32>
        %shift_right_arithmetic3A_106 = arith.constant 2 : i32
        %shift_right_arithmetic3A_107 = vector.broadcast %shift_right_arithmetic3A_106 : i32 to vector<16xi32>
        %shift_right_arithmetic3A_108 = arith.shrsi %add3A_105, %shift_right_arithmetic3A_107 : vector<16xi32>
        %gather3A = tpu.vector_load_idx %arg8[%shift_right_arithmetic3A_108] : memref<1040xi32, #tpu.memory_space<vmem>>[vector<16xi32>], vector<16xi32>,
        %and3A_109 = arith.constant 3 : i32
        %and3A_110 = vector.broadcast %and3A_109 : i32 to vector<16xi32>
        %and3A_111 = arith.andi %iota3A, %and3A_110 : vector<16xi32>
        %mul3A_112 = arith.constant 8 : i32
        %mul3A_113 = vector.broadcast %mul3A_112 : i32 to vector<16xi32>
        %mul3A_114 = arith.muli %and3A_111, %mul3A_113 : vector<16xi32>
        %add3A_115 = arith.addi %gather3A, %mul3A_114 : vector<16xi32>
        %mul3A_116 = arith.constant 16 : i32
        %mul3A_117 = arith.muli %mul3A_101, %mul3A_116 : i32
        %swap3A_118 = arith.index_cast %mul3A_117 : i32 to index
        %swap3A_119 = tpu.vector_load %arg11[%swap3A_118] {strides = array<i32>} : memref<4096xi32, #tpu.memory_space<vmem>>, vector<16xi32>,
        tpu.vector_store %arg11[%swap3A_118], %add3A_115 {strides = array<i32>} : memref<4096xi32, #tpu.memory_space<vmem>>, vector<16xi32>,
        %mul3A_120 = arith.constant 2 : i32
        %mul3A_121 = arith.muli %while3A_99, %mul3A_120 : i32
        %add3A_122 = arith.constant 1 : i32
        %add3A_123 = arith.addi %mul3A_121, %add3A_122 : i32
        %mul3A_124 = arith.constant 16 : i32
        %mul3A_125 = arith.muli %add3A_123, %mul3A_124 : i32
        %add3A_126 = vector.broadcast %mul3A_125 : i32 to vector<16xi32>
        %add3A_127 = arith.addi %add3A_126, %iota3A : vector<16xi32>
        %shift_right_arithmetic3A_128 = arith.constant 2 : i32
        %shift_right_arithmetic3A_129 = vector.broadcast %shift_right_arithmetic3A_128 : i32 to vector<16xi32>
        %shift_right_arithmetic3A_130 = arith.shrsi %add3A_127, %shift_right_arithmetic3A_129 : vector<16xi32>
        %gather3A_131 = tpu.vector_load_idx %arg8[%shift_right_arithmetic3A_130] : memref<1040xi32, #tpu.memory_space<vmem>>[vector<16xi32>], vector<16xi32>,
        %and3A_132 = arith.constant 3 : i32
        %and3A_133 = vector.broadcast %and3A_132 : i32 to vector<16xi32>
        %and3A_134 = arith.andi %iota3A, %and3A_133 : vector<16xi32>
        %mul3A_135 = arith.constant 8 : i32
        %mul3A_136 = vector.broadcast %mul3A_135 : i32 to vector<16xi32>
        %mul3A_137 = arith.muli %and3A_134, %mul3A_136 : vector<16xi32>
        %add3A_138 = arith.addi %gather3A_131, %mul3A_137 : vector<16xi32>
        %mul3A_139 = arith.constant 16 : i32
        %mul3A_140 = arith.muli %add3A_123, %mul3A_139 : i32
        %swap3A_141 = arith.index_cast %mul3A_140 : i32 to index
        %swap3A_142 = tpu.vector_load %arg11[%swap3A_141] {strides = array<i32>} : memref<4096xi32, #tpu.memory_space<vmem>>, vector<16xi32>,
        tpu.vector_store %arg11[%swap3A_141], %add3A_138 {strides = array<i32>} : memref<4096xi32, #tpu.memory_space<vmem>>, vector<16xi32>,
      }
      %gt3A = arith.constant 0 : i32
      %gt3A_48 = arith.cmpi sgt, %mul3A_37, %gt3A : i32
      %convert_element_type3A = arith.extui %gt3A_48 : i1 to i32
      %cond3A = arith.constant 0 : i32
      %cond3A_49 = arith.cmpi ne, %convert_element_type3A, %cond3A : i32
      scf.if %cond3A_49 {
        %dma_start3A = arith.constant 0 : i32
        %dma_start3A_99 = arith.constant 0 : i32
        %dma_start3A_100 = tpu.memref_slice %arg12[%dma_start3A, %dma_start3A_99] : memref<4096x16xf32, #tpu.memory_space<vmem>> -> memref<512x16xf32, #tpu.memory_space<vmem>>
        %dma_start3A_101 = arith.constant 0 : i32
        %dma_start3A_102 = tpu.memref_slice %arg11[%dma_start3A_101] : memref<4096xi32, #tpu.memory_space<vmem>> -> memref<512xi32, #tpu.memory_space<vmem>>
        %dma_start3A_103 = arith.constant 0 : i32
        %dma_start3A_104 = arith.constant 0 : i32
        %dma_start3A_105 = tpu.memref_slice %arg2[%dma_start3A_103, %dma_start3A_104] : memref<524288x16xf32, #tpu.memory_space<hbm>> -> memref<524288x16xf32, #tpu.memory_space<hbm>>
        tpu.enqueue_indirect_dma source(%dma_start3A_105 : memref<524288x16xf32, #tpu.memory_space<hbm>>) target(%dma_start3A_100 : memref<512x16xf32, #tpu.memory_space<vmem>>) offsets(%dma_start3A_102 : memref<512xi32, #tpu.memory_space<vmem>>) semaphore(%arg14 : memref<!tpu.dma_semaphore, #tpu.memory_space<semaphore_mem>>)
        %dma_wait3A = arith.constant 0 : i32
        %dma_wait3A_106 = arith.constant 0 : i32
        %dma_wait3A_107 = tpu.memref_slice %arg12[%dma_wait3A, %dma_wait3A_106] : memref<4096x16xf32, #tpu.memory_space<vmem>> -> memref<512x16xf32, #tpu.memory_space<vmem>>
        %dma_wait3A_108 = arith.constant 0 : i32
        %dma_wait3A_109 = tpu.memref_slice %arg11[%dma_wait3A_108] : memref<4096xi32, #tpu.memory_space<vmem>> -> memref<512xi32, #tpu.memory_space<vmem>>
        %dma_wait3A_110 = arith.constant 0 : i32
        %dma_wait3A_111 = arith.constant 0 : i32
        %dma_wait3A_112 = tpu.memref_slice %arg2[%dma_wait3A_110, %dma_wait3A_111] : memref<524288x16xf32, #tpu.memory_space<hbm>> -> memref<524288x16xf32, #tpu.memory_space<hbm>>
        tpu.wait_indirect_dma semaphore(%arg14 : memref<!tpu.dma_semaphore, #tpu.memory_space<semaphore_mem>>) src(%dma_wait3A_112 : memref<524288x16xf32, #tpu.memory_space<hbm>>) dst(%dma_wait3A_107 : memref<512x16xf32, #tpu.memory_space<vmem>>)
      } else {
      }
      %gt3A_50 = arith.constant 512 : i32
      %gt3A_51 = arith.cmpi sgt, %mul3A_37, %gt3A_50 : i32
      %convert_element_type3A_52 = arith.extui %gt3A_51 : i1 to i32
      %cond3A_53 = arith.constant 0 : i32
      %cond3A_54 = arith.cmpi ne, %convert_element_type3A_52, %cond3A_53 : i32
      scf.if %cond3A_54 {
        %dma_start3A = arith.constant 512 : i32
        %dma_start3A_99 = arith.constant 0 : i32
        %dma_start3A_100 = tpu.memref_slice %arg12[%dma_start3A, %dma_start3A_99] : memref<4096x16xf32, #tpu.memory_space<vmem>> -> memref<512x16xf32, #tpu.memory_space<vmem>>
        %dma_start3A_101 = arith.constant 512 : i32
        %dma_start3A_102 = tpu.memref_slice %arg11[%dma_start3A_101] : memref<4096xi32, #tpu.memory_space<vmem>> -> memref<512xi32, #tpu.memory_space<vmem>>
        %dma_start3A_103 = arith.constant 0 : i32
        %dma_start3A_104 = arith.constant 0 : i32
        %dma_start3A_105 = tpu.memref_slice %arg2[%dma_start3A_103, %dma_start3A_104] : memref<524288x16xf32, #tpu.memory_space<hbm>> -> memref<524288x16xf32, #tpu.memory_space<hbm>>
        tpu.enqueue_indirect_dma source(%dma_start3A_105 : memref<524288x16xf32, #tpu.memory_space<hbm>>) target(%dma_start3A_100 : memref<512x16xf32, #tpu.memory_space<vmem>>) offsets(%dma_start3A_102 : memref<512xi32, #tpu.memory_space<vmem>>) semaphore(%arg14 : memref<!tpu.dma_semaphore, #tpu.memory_space<semaphore_mem>>)
        %dma_wait3A = arith.constant 512 : i32
        %dma_wait3A_106 = arith.constant 0 : i32
        %dma_wait3A_107 = tpu.memref_slice %arg12[%dma_wait3A, %dma_wait3A_106] : memref<4096x16xf32, #tpu.memory_space<vmem>> -> memref<512x16xf32, #tpu.memory_space<vmem>>
        %dma_wait3A_108 = arith.constant 512 : i32
        %dma_wait3A_109 = tpu.memref_slice %arg11[%dma_wait3A_108] : memref<4096xi32, #tpu.memory_space<vmem>> -> memref<512xi32, #tpu.memory_space<vmem>>
        %dma_wait3A_110 = arith.constant 0 : i32
        %dma_wait3A_111 = arith.constant 0 : i32
        %dma_wait3A_112 = tpu.memref_slice %arg2[%dma_wait3A_110, %dma_wait3A_111] : memref<524288x16xf32, #tpu.memory_space<hbm>> -> memref<524288x16xf32, #tpu.memory_space<hbm>>
        tpu.wait_indirect_dma semaphore(%arg14 : memref<!tpu.dma_semaphore, #tpu.memory_space<semaphore_mem>>) src(%dma_wait3A_112 : memref<524288x16xf32, #tpu.memory_space<hbm>>) dst(%dma_wait3A_107 : memref<512x16xf32, #tpu.memory_space<vmem>>)
      } else {
      }
      %gt3A_55 = arith.constant 1024 : i32
      %gt3A_56 = arith.cmpi sgt, %mul3A_37, %gt3A_55 : i32
      %convert_element_type3A_57 = arith.extui %gt3A_56 : i1 to i32
      %cond3A_58 = arith.constant 0 : i32
      %cond3A_59 = arith.cmpi ne, %convert_element_type3A_57, %cond3A_58 : i32
      scf.if %cond3A_59 {
        %dma_start3A = arith.constant 1024 : i32
        %dma_start3A_99 = arith.constant 0 : i32
        %dma_start3A_100 = tpu.memref_slice %arg12[%dma_start3A, %dma_start3A_99] : memref<4096x16xf32, #tpu.memory_space<vmem>> -> memref<512x16xf32, #tpu.memory_space<vmem>>
        %dma_start3A_101 = arith.constant 1024 : i32
        %dma_start3A_102 = tpu.memref_slice %arg11[%dma_start3A_101] : memref<4096xi32, #tpu.memory_space<vmem>> -> memref<512xi32, #tpu.memory_space<vmem>>
        %dma_start3A_103 = arith.constant 0 : i32
        %dma_start3A_104 = arith.constant 0 : i32
        %dma_start3A_105 = tpu.memref_slice %arg2[%dma_start3A_103, %dma_start3A_104] : memref<524288x16xf32, #tpu.memory_space<hbm>> -> memref<524288x16xf32, #tpu.memory_space<hbm>>
        tpu.enqueue_indirect_dma source(%dma_start3A_105 : memref<524288x16xf32, #tpu.memory_space<hbm>>) target(%dma_start3A_100 : memref<512x16xf32, #tpu.memory_space<vmem>>) offsets(%dma_start3A_102 : memref<512xi32, #tpu.memory_space<vmem>>) semaphore(%arg14 : memref<!tpu.dma_semaphore, #tpu.memory_space<semaphore_mem>>)
        %dma_wait3A = arith.constant 1024 : i32
        %dma_wait3A_106 = arith.constant 0 : i32
        %dma_wait3A_107 = tpu.memref_slice %arg12[%dma_wait3A, %dma_wait3A_106] : memref<4096x16xf32, #tpu.memory_space<vmem>> -> memref<512x16xf32, #tpu.memory_space<vmem>>
        %dma_wait3A_108 = arith.constant 1024 : i32
        %dma_wait3A_109 = tpu.memref_slice %arg11[%dma_wait3A_108] : memref<4096xi32, #tpu.memory_space<vmem>> -> memref<512xi32, #tpu.memory_space<vmem>>
        %dma_wait3A_110 = arith.constant 0 : i32
        %dma_wait3A_111 = arith.constant 0 : i32
        %dma_wait3A_112 = tpu.memref_slice %arg2[%dma_wait3A_110, %dma_wait3A_111] : memref<524288x16xf32, #tpu.memory_space<hbm>> -> memref<524288x16xf32, #tpu.memory_space<hbm>>
        tpu.wait_indirect_dma semaphore(%arg14 : memref<!tpu.dma_semaphore, #tpu.memory_space<semaphore_mem>>) src(%dma_wait3A_112 : memref<524288x16xf32, #tpu.memory_space<hbm>>) dst(%dma_wait3A_107 : memref<512x16xf32, #tpu.memory_space<vmem>>)
      } else {
      }
      %gt3A_60 = arith.constant 1536 : i32
      %gt3A_61 = arith.cmpi sgt, %mul3A_37, %gt3A_60 : i32
      %convert_element_type3A_62 = arith.extui %gt3A_61 : i1 to i32
      %cond3A_63 = arith.constant 0 : i32
      %cond3A_64 = arith.cmpi ne, %convert_element_type3A_62, %cond3A_63 : i32
      scf.if %cond3A_64 {
        %dma_start3A = arith.constant 1536 : i32
        %dma_start3A_99 = arith.constant 0 : i32
        %dma_start3A_100 = tpu.memref_slice %arg12[%dma_start3A, %dma_start3A_99] : memref<4096x16xf32, #tpu.memory_space<vmem>> -> memref<512x16xf32, #tpu.memory_space<vmem>>
        %dma_start3A_101 = arith.constant 1536 : i32
        %dma_start3A_102 = tpu.memref_slice %arg11[%dma_start3A_101] : memref<4096xi32, #tpu.memory_space<vmem>> -> memref<512xi32, #tpu.memory_space<vmem>>
        %dma_start3A_103 = arith.constant 0 : i32
        %dma_start3A_104 = arith.constant 0 : i32
        %dma_start3A_105 = tpu.memref_slice %arg2[%dma_start3A_103, %dma_start3A_104] : memref<524288x16xf32, #tpu.memory_space<hbm>> -> memref<524288x16xf32, #tpu.memory_space<hbm>>
        tpu.enqueue_indirect_dma source(%dma_start3A_105 : memref<524288x16xf32, #tpu.memory_space<hbm>>) target(%dma_start3A_100 : memref<512x16xf32, #tpu.memory_space<vmem>>) offsets(%dma_start3A_102 : memref<512xi32, #tpu.memory_space<vmem>>) semaphore(%arg14 : memref<!tpu.dma_semaphore, #tpu.memory_space<semaphore_mem>>)
        %dma_wait3A = arith.constant 1536 : i32
        %dma_wait3A_106 = arith.constant 0 : i32
        %dma_wait3A_107 = tpu.memref_slice %arg12[%dma_wait3A, %dma_wait3A_106] : memref<4096x16xf32, #tpu.memory_space<vmem>> -> memref<512x16xf32, #tpu.memory_space<vmem>>
        %dma_wait3A_108 = arith.constant 1536 : i32
        %dma_wait3A_109 = tpu.memref_slice %arg11[%dma_wait3A_108] : memref<4096xi32, #tpu.memory_space<vmem>> -> memref<512xi32, #tpu.memory_space<vmem>>
        %dma_wait3A_110 = arith.constant 0 : i32
        %dma_wait3A_111 = arith.constant 0 : i32
        %dma_wait3A_112 = tpu.memref_slice %arg2[%dma_wait3A_110, %dma_wait3A_111] : memref<524288x16xf32, #tpu.memory_space<hbm>> -> memref<524288x16xf32, #tpu.memory_space<hbm>>
        tpu.wait_indirect_dma semaphore(%arg14 : memref<!tpu.dma_semaphore, #tpu.memory_space<semaphore_mem>>) src(%dma_wait3A_112 : memref<524288x16xf32, #tpu.memory_space<hbm>>) dst(%dma_wait3A_107 : memref<512x16xf32, #tpu.memory_space<vmem>>)
      } else {
      }
      %gt3A_65 = arith.constant 2048 : i32
      %gt3A_66 = arith.cmpi sgt, %mul3A_37, %gt3A_65 : i32
      %convert_element_type3A_67 = arith.extui %gt3A_66 : i1 to i32
      %cond3A_68 = arith.constant 0 : i32
      %cond3A_69 = arith.cmpi ne, %convert_element_type3A_67, %cond3A_68 : i32
      scf.if %cond3A_69 {
        %dma_start3A = arith.constant 2048 : i32
        %dma_start3A_99 = arith.constant 0 : i32
        %dma_start3A_100 = tpu.memref_slice %arg12[%dma_start3A, %dma_start3A_99] : memref<4096x16xf32, #tpu.memory_space<vmem>> -> memref<512x16xf32, #tpu.memory_space<vmem>>
        %dma_start3A_101 = arith.constant 2048 : i32
        %dma_start3A_102 = tpu.memref_slice %arg11[%dma_start3A_101] : memref<4096xi32, #tpu.memory_space<vmem>> -> memref<512xi32, #tpu.memory_space<vmem>>
        %dma_start3A_103 = arith.constant 0 : i32
        %dma_start3A_104 = arith.constant 0 : i32
        %dma_start3A_105 = tpu.memref_slice %arg2[%dma_start3A_103, %dma_start3A_104] : memref<524288x16xf32, #tpu.memory_space<hbm>> -> memref<524288x16xf32, #tpu.memory_space<hbm>>
        tpu.enqueue_indirect_dma source(%dma_start3A_105 : memref<524288x16xf32, #tpu.memory_space<hbm>>) target(%dma_start3A_100 : memref<512x16xf32, #tpu.memory_space<vmem>>) offsets(%dma_start3A_102 : memref<512xi32, #tpu.memory_space<vmem>>) semaphore(%arg14 : memref<!tpu.dma_semaphore, #tpu.memory_space<semaphore_mem>>)
        %dma_wait3A = arith.constant 2048 : i32
        %dma_wait3A_106 = arith.constant 0 : i32
        %dma_wait3A_107 = tpu.memref_slice %arg12[%dma_wait3A, %dma_wait3A_106] : memref<4096x16xf32, #tpu.memory_space<vmem>> -> memref<512x16xf32, #tpu.memory_space<vmem>>
        %dma_wait3A_108 = arith.constant 2048 : i32
        %dma_wait3A_109 = tpu.memref_slice %arg11[%dma_wait3A_108] : memref<4096xi32, #tpu.memory_space<vmem>> -> memref<512xi32, #tpu.memory_space<vmem>>
        %dma_wait3A_110 = arith.constant 0 : i32
        %dma_wait3A_111 = arith.constant 0 : i32
        %dma_wait3A_112 = tpu.memref_slice %arg2[%dma_wait3A_110, %dma_wait3A_111] : memref<524288x16xf32, #tpu.memory_space<hbm>> -> memref<524288x16xf32, #tpu.memory_space<hbm>>
        tpu.wait_indirect_dma semaphore(%arg14 : memref<!tpu.dma_semaphore, #tpu.memory_space<semaphore_mem>>) src(%dma_wait3A_112 : memref<524288x16xf32, #tpu.memory_space<hbm>>) dst(%dma_wait3A_107 : memref<512x16xf32, #tpu.memory_space<vmem>>)
      } else {
      }
      %gt3A_70 = arith.constant 2560 : i32
      %gt3A_71 = arith.cmpi sgt, %mul3A_37, %gt3A_70 : i32
      %convert_element_type3A_72 = arith.extui %gt3A_71 : i1 to i32
      %cond3A_73 = arith.constant 0 : i32
      %cond3A_74 = arith.cmpi ne, %convert_element_type3A_72, %cond3A_73 : i32
      scf.if %cond3A_74 {
        %dma_start3A = arith.constant 2560 : i32
        %dma_start3A_99 = arith.constant 0 : i32
        %dma_start3A_100 = tpu.memref_slice %arg12[%dma_start3A, %dma_start3A_99] : memref<4096x16xf32, #tpu.memory_space<vmem>> -> memref<512x16xf32, #tpu.memory_space<vmem>>
        %dma_start3A_101 = arith.constant 2560 : i32
        %dma_start3A_102 = tpu.memref_slice %arg11[%dma_start3A_101] : memref<4096xi32, #tpu.memory_space<vmem>> -> memref<512xi32, #tpu.memory_space<vmem>>
        %dma_start3A_103 = arith.constant 0 : i32
        %dma_start3A_104 = arith.constant 0 : i32
        %dma_start3A_105 = tpu.memref_slice %arg2[%dma_start3A_103, %dma_start3A_104] : memref<524288x16xf32, #tpu.memory_space<hbm>> -> memref<524288x16xf32, #tpu.memory_space<hbm>>
        tpu.enqueue_indirect_dma source(%dma_start3A_105 : memref<524288x16xf32, #tpu.memory_space<hbm>>) target(%dma_start3A_100 : memref<512x16xf32, #tpu.memory_space<vmem>>) offsets(%dma_start3A_102 : memref<512xi32, #tpu.memory_space<vmem>>) semaphore(%arg14 : memref<!tpu.dma_semaphore, #tpu.memory_space<semaphore_mem>>)
        %dma_wait3A = arith.constant 2560 : i32
        %dma_wait3A_106 = arith.constant 0 : i32
        %dma_wait3A_107 = tpu.memref_slice %arg12[%dma_wait3A, %dma_wait3A_106] : memref<4096x16xf32, #tpu.memory_space<vmem>> -> memref<512x16xf32, #tpu.memory_space<vmem>>
        %dma_wait3A_108 = arith.constant 2560 : i32
        %dma_wait3A_109 = tpu.memref_slice %arg11[%dma_wait3A_108] : memref<4096xi32, #tpu.memory_space<vmem>> -> memref<512xi32, #tpu.memory_space<vmem>>
        %dma_wait3A_110 = arith.constant 0 : i32
        %dma_wait3A_111 = arith.constant 0 : i32
        %dma_wait3A_112 = tpu.memref_slice %arg2[%dma_wait3A_110, %dma_wait3A_111] : memref<524288x16xf32, #tpu.memory_space<hbm>> -> memref<524288x16xf32, #tpu.memory_space<hbm>>
        tpu.wait_indirect_dma semaphore(%arg14 : memref<!tpu.dma_semaphore, #tpu.memory_space<semaphore_mem>>) src(%dma_wait3A_112 : memref<524288x16xf32, #tpu.memory_space<hbm>>) dst(%dma_wait3A_107 : memref<512x16xf32, #tpu.memory_space<vmem>>)
      } else {
      }
      %gt3A_75 = arith.constant 3072 : i32
      %gt3A_76 = arith.cmpi sgt, %mul3A_37, %gt3A_75 : i32
      %convert_element_type3A_77 = arith.extui %gt3A_76 : i1 to i32
      %cond3A_78 = arith.constant 0 : i32
      %cond3A_79 = arith.cmpi ne, %convert_element_type3A_77, %cond3A_78 : i32
      scf.if %cond3A_79 {
        %dma_start3A = arith.constant 3072 : i32
        %dma_start3A_99 = arith.constant 0 : i32
        %dma_start3A_100 = tpu.memref_slice %arg12[%dma_start3A, %dma_start3A_99] : memref<4096x16xf32, #tpu.memory_space<vmem>> -> memref<512x16xf32, #tpu.memory_space<vmem>>
        %dma_start3A_101 = arith.constant 3072 : i32
        %dma_start3A_102 = tpu.memref_slice %arg11[%dma_start3A_101] : memref<4096xi32, #tpu.memory_space<vmem>> -> memref<512xi32, #tpu.memory_space<vmem>>
        %dma_start3A_103 = arith.constant 0 : i32
        %dma_start3A_104 = arith.constant 0 : i32
        %dma_start3A_105 = tpu.memref_slice %arg2[%dma_start3A_103, %dma_start3A_104] : memref<524288x16xf32, #tpu.memory_space<hbm>> -> memref<524288x16xf32, #tpu.memory_space<hbm>>
        tpu.enqueue_indirect_dma source(%dma_start3A_105 : memref<524288x16xf32, #tpu.memory_space<hbm>>) target(%dma_start3A_100 : memref<512x16xf32, #tpu.memory_space<vmem>>) offsets(%dma_start3A_102 : memref<512xi32, #tpu.memory_space<vmem>>) semaphore(%arg14 : memref<!tpu.dma_semaphore, #tpu.memory_space<semaphore_mem>>)
        %dma_wait3A = arith.constant 3072 : i32
        %dma_wait3A_106 = arith.constant 0 : i32
        %dma_wait3A_107 = tpu.memref_slice %arg12[%dma_wait3A, %dma_wait3A_106] : memref<4096x16xf32, #tpu.memory_space<vmem>> -> memref<512x16xf32, #tpu.memory_space<vmem>>
        %dma_wait3A_108 = arith.constant 3072 : i32
        %dma_wait3A_109 = tpu.memref_slice %arg11[%dma_wait3A_108] : memref<4096xi32, #tpu.memory_space<vmem>> -> memref<512xi32, #tpu.memory_space<vmem>>
        %dma_wait3A_110 = arith.constant 0 : i32
        %dma_wait3A_111 = arith.constant 0 : i32
        %dma_wait3A_112 = tpu.memref_slice %arg2[%dma_wait3A_110, %dma_wait3A_111] : memref<524288x16xf32, #tpu.memory_space<hbm>> -> memref<524288x16xf32, #tpu.memory_space<hbm>>
        tpu.wait_indirect_dma semaphore(%arg14 : memref<!tpu.dma_semaphore, #tpu.memory_space<semaphore_mem>>) src(%dma_wait3A_112 : memref<524288x16xf32, #tpu.memory_space<hbm>>) dst(%dma_wait3A_107 : memref<512x16xf32, #tpu.memory_space<vmem>>)
      } else {
      }
      %gt3A_80 = arith.constant 3584 : i32
      %gt3A_81 = arith.cmpi sgt, %mul3A_37, %gt3A_80 : i32
      %convert_element_type3A_82 = arith.extui %gt3A_81 : i1 to i32
      %cond3A_83 = arith.constant 0 : i32
      %cond3A_84 = arith.cmpi ne, %convert_element_type3A_82, %cond3A_83 : i32
      scf.if %cond3A_84 {
        %dma_start3A = arith.constant 3584 : i32
        %dma_start3A_99 = arith.constant 0 : i32
        %dma_start3A_100 = tpu.memref_slice %arg12[%dma_start3A, %dma_start3A_99] : memref<4096x16xf32, #tpu.memory_space<vmem>> -> memref<512x16xf32, #tpu.memory_space<vmem>>
        %dma_start3A_101 = arith.constant 3584 : i32
        %dma_start3A_102 = tpu.memref_slice %arg11[%dma_start3A_101] : memref<4096xi32, #tpu.memory_space<vmem>> -> memref<512xi32, #tpu.memory_space<vmem>>
        %dma_start3A_103 = arith.constant 0 : i32
        %dma_start3A_104 = arith.constant 0 : i32
        %dma_start3A_105 = tpu.memref_slice %arg2[%dma_start3A_103, %dma_start3A_104] : memref<524288x16xf32, #tpu.memory_space<hbm>> -> memref<524288x16xf32, #tpu.memory_space<hbm>>
        tpu.enqueue_indirect_dma source(%dma_start3A_105 : memref<524288x16xf32, #tpu.memory_space<hbm>>) target(%dma_start3A_100 : memref<512x16xf32, #tpu.memory_space<vmem>>) offsets(%dma_start3A_102 : memref<512xi32, #tpu.memory_space<vmem>>) semaphore(%arg14 : memref<!tpu.dma_semaphore, #tpu.memory_space<semaphore_mem>>)
        %dma_wait3A = arith.constant 3584 : i32
        %dma_wait3A_106 = arith.constant 0 : i32
        %dma_wait3A_107 = tpu.memref_slice %arg12[%dma_wait3A, %dma_wait3A_106] : memref<4096x16xf32, #tpu.memory_space<vmem>> -> memref<512x16xf32, #tpu.memory_space<vmem>>
        %dma_wait3A_108 = arith.constant 3584 : i32
        %dma_wait3A_109 = tpu.memref_slice %arg11[%dma_wait3A_108] : memref<4096xi32, #tpu.memory_space<vmem>> -> memref<512xi32, #tpu.memory_space<vmem>>
        %dma_wait3A_110 = arith.constant 0 : i32
        %dma_wait3A_111 = arith.constant 0 : i32
        %dma_wait3A_112 = tpu.memref_slice %arg2[%dma_wait3A_110, %dma_wait3A_111] : memref<524288x16xf32, #tpu.memory_space<hbm>> -> memref<524288x16xf32, #tpu.memory_space<hbm>>
        tpu.wait_indirect_dma semaphore(%arg14 : memref<!tpu.dma_semaphore, #tpu.memory_space<semaphore_mem>>) src(%dma_wait3A_112 : memref<524288x16xf32, #tpu.memory_space<hbm>>) dst(%dma_wait3A_107 : memref<512x16xf32, #tpu.memory_space<vmem>>)
      } else {
      }
      %shift_right_arithmetic3A_85 = arith.constant 5 : i32
      %shift_right_arithmetic3A_86 = arith.shrsi %mul3A_37, %shift_right_arithmetic3A_85 : i32
      %while3A_87 = arith.constant 0 : i32
      %while3A_88 = arith.constant 0 : i32
      %while3A_89 = arith.subi %shift_right_arithmetic3A_86, %while3A_88 : i32
      %while3A_90 = arith.addi %while3A_88, %while3A_89 : i32
      %while3A_91 = arith.constant 1 : i32
      %while3A_92 = arith.divsi %while3A_89, %while3A_91 : i32
      %while3A_93 = arith.muli %while3A_92, %while3A_91 : i32
      %while3A_94 = arith.addi %while3A_88, %while3A_93 : i32
      %while3A_95 = arith.constant 1 : i32
      scf.for %while3A_99 = %while3A_88 to %while3A_94 step %while3A_95  : i32 {
        %mul3A_100 = arith.constant 2 : i32
        %mul3A_101 = arith.muli %while3A_99, %mul3A_100 : i32
        %mul3A_102 = arith.constant 16 : i32
        %mul3A_103 = arith.muli %mul3A_101, %mul3A_102 : i32
        %add3A_104 = vector.broadcast %mul3A_103 : i32 to vector<16xi32>
        %add3A_105 = arith.addi %add3A_104, %iota3A : vector<16xi32>
        %shift_right_arithmetic3A_106 = arith.constant 2 : i32
        %shift_right_arithmetic3A_107 = vector.broadcast %shift_right_arithmetic3A_106 : i32 to vector<16xi32>
        %shift_right_arithmetic3A_108 = arith.shrsi %add3A_105, %shift_right_arithmetic3A_107 : vector<16xi32>
        %and3A_109 = arith.constant 3 : i32
        %and3A_110 = vector.broadcast %and3A_109 : i32 to vector<16xi32>
        %and3A_111 = arith.andi %iota3A, %and3A_110 : vector<16xi32>
        %gather3A = tpu.vector_load_idx %arg9[%shift_right_arithmetic3A_108] : memref<1040xi32, #tpu.memory_space<vmem>>[vector<16xi32>], vector<16xi32>,
        %gather3A_112 = tpu.vector_load_idx %arg12[%add3A_105, %gather3A] : memref<4096x16xf32, #tpu.memory_space<vmem>>[vector<16xi32>, vector<16xi32>], vector<16xf32>,
        %gather3A_113 = tpu.vector_load_idx %arg10[%shift_right_arithmetic3A_108] : memref<1040xi32, #tpu.memory_space<vmem>>[vector<16xi32>], vector<16xi32>,
        %neg3A = arith.constant 0.000000e+00 : f32
        %neg3A_114 = vector.broadcast %neg3A : f32 to vector<16xf32>
        %neg3A_115 = arith.subf %neg3A_114, %gather3A_112 : vector<16xf32>
        %exp3A = math.exp %neg3A_115 : vector<16xf32>
        %add3A_116 = arith.constant 1.000000e+00 : f32
        %add3A_117 = vector.broadcast %add3A_116 : f32 to vector<16xf32>
        %add3A_118 = arith.addf %add3A_117, %exp3A : vector<16xf32>
        %div3A = arith.constant 1.000000e+00 : f32
        %div3A_119 = vector.broadcast %div3A : f32 to vector<16xf32>
        %div3A_120 = arith.divf %div3A_119, %add3A_118 : vector<16xf32>
        %max3A = arith.constant 0.000000e+00 : f32
        %max3A_121 = vector.broadcast %max3A : f32 to vector<16xf32>
        %max3A_122 = arith.maximumf %gather3A_112, %max3A_121 : vector<16xf32>
        %lt3A = arith.constant 3 : i32
        %lt3A_123 = vector.broadcast %lt3A : i32 to vector<16xi32>
        %lt3A_124 = arith.cmpi slt, %and3A_111, %lt3A_123 : vector<16xi32>
        %select_n3A = arith.select %lt3A_124, %div3A_120, %max3A_122 : vector<16xi1>, vector<16xf32>
        %mul3A_125 = arith.constant 3 : i32
        %mul3A_126 = vector.broadcast %mul3A_125 : i32 to vector<16xi32>
        %mul3A_127 = arith.muli %gather3A_113, %mul3A_126 : vector<16xi32>
        %add3A_128 = arith.addi %mul3A_127, %and3A_111 : vector<16xi32>
        %lt3A_129 = arith.constant 3 : i32
        %lt3A_130 = vector.broadcast %lt3A_129 : i32 to vector<16xi32>
        %lt3A_131 = arith.cmpi slt, %and3A_111, %lt3A_130 : vector<16xi32>
        tpu.vector_store_idx %arg13[%add3A_128], %select_n3A masked %lt3A_131 : memref<4608xf32, #tpu.memory_space<vmem>>[vector<16xi32>], vector<16xf32>, vector<16xi1>
        %add3A_132 = arith.constant 3072 : i32
        %add3A_133 = vector.broadcast %add3A_132 : i32 to vector<16xi32>
        %add3A_134 = arith.addi %gather3A_113, %add3A_133 : vector<16xi32>
        %eq3A = arith.constant 3 : i32
        %eq3A_135 = vector.broadcast %eq3A : i32 to vector<16xi32>
        %eq3A_136 = arith.cmpi eq, %and3A_111, %eq3A_135 : vector<16xi32>
        tpu.vector_store_idx %arg13[%add3A_134], %select_n3A masked %eq3A_136 : memref<4608xf32, #tpu.memory_space<vmem>>[vector<16xi32>], vector<16xf32>, vector<16xi1>
        %mul3A_137 = arith.constant 2 : i32
        %mul3A_138 = arith.muli %while3A_99, %mul3A_137 : i32
        %add3A_139 = arith.constant 1 : i32
        %add3A_140 = arith.addi %mul3A_138, %add3A_139 : i32
        %mul3A_141 = arith.constant 16 : i32
        %mul3A_142 = arith.muli %add3A_140, %mul3A_141 : i32
        %add3A_143 = vector.broadcast %mul3A_142 : i32 to vector<16xi32>
        %add3A_144 = arith.addi %add3A_143, %iota3A : vector<16xi32>
        %shift_right_arithmetic3A_145 = arith.constant 2 : i32
        %shift_right_arithmetic3A_146 = vector.broadcast %shift_right_arithmetic3A_145 : i32 to vector<16xi32>
        %shift_right_arithmetic3A_147 = arith.shrsi %add3A_144, %shift_right_arithmetic3A_146 : vector<16xi32>
        %and3A_148 = arith.constant 3 : i32
        %and3A_149 = vector.broadcast %and3A_148 : i32 to vector<16xi32>
        %and3A_150 = arith.andi %iota3A, %and3A_149 : vector<16xi32>
        %gather3A_151 = tpu.vector_load_idx %arg9[%shift_right_arithmetic3A_147] : memref<1040xi32, #tpu.memory_space<vmem>>[vector<16xi32>], vector<16xi32>,
        %gather3A_152 = tpu.vector_load_idx %arg12[%add3A_144, %gather3A_151] : memref<4096x16xf32, #tpu.memory_space<vmem>>[vector<16xi32>, vector<16xi32>], vector<16xf32>,
        %gather3A_153 = tpu.vector_load_idx %arg10[%shift_right_arithmetic3A_147] : memref<1040xi32, #tpu.memory_space<vmem>>[vector<16xi32>], vector<16xi32>,
        %neg3A_154 = arith.constant 0.000000e+00 : f32
        %neg3A_155 = vector.broadcast %neg3A_154 : f32 to vector<16xf32>
        %neg3A_156 = arith.subf %neg3A_155, %gather3A_152 : vector<16xf32>
        %exp3A_157 = math.exp %neg3A_156 : vector<16xf32>
        %add3A_158 = arith.constant 1.000000e+00 : f32
        %add3A_159 = vector.broadcast %add3A_158 : f32 to vector<16xf32>
        %add3A_160 = arith.addf %add3A_159, %exp3A_157 : vector<16xf32>
        %div3A_161 = arith.constant 1.000000e+00 : f32
        %div3A_162 = vector.broadcast %div3A_161 : f32 to vector<16xf32>
        %div3A_163 = arith.divf %div3A_162, %add3A_160 : vector<16xf32>
        %max3A_164 = arith.constant 0.000000e+00 : f32
        %max3A_165 = vector.broadcast %max3A_164 : f32 to vector<16xf32>
        %max3A_166 = arith.maximumf %gather3A_152, %max3A_165 : vector<16xf32>
        %lt3A_167 = arith.constant 3 : i32
        %lt3A_168 = vector.broadcast %lt3A_167 : i32 to vector<16xi32>
        %lt3A_169 = arith.cmpi slt, %and3A_150, %lt3A_168 : vector<16xi32>
        %select_n3A_170 = arith.select %lt3A_169, %div3A_163, %max3A_166 : vector<16xi1>, vector<16xf32>
        %mul3A_171 = arith.constant 3 : i32
        %mul3A_172 = vector.broadcast %mul3A_171 : i32 to vector<16xi32>
        %mul3A_173 = arith.muli %gather3A_153, %mul3A_172 : vector<16xi32>
        %add3A_174 = arith.addi %mul3A_173, %and3A_150 : vector<16xi32>
        %lt3A_175 = arith.constant 3 : i32
        %lt3A_176 = vector.broadcast %lt3A_175 : i32 to vector<16xi32>
        %lt3A_177 = arith.cmpi slt, %and3A_150, %lt3A_176 : vector<16xi32>
        tpu.vector_store_idx %arg13[%add3A_174], %select_n3A_170 masked %lt3A_177 : memref<4608xf32, #tpu.memory_space<vmem>>[vector<16xi32>], vector<16xf32>, vector<16xi1>
        %add3A_178 = arith.constant 3072 : i32
        %add3A_179 = vector.broadcast %add3A_178 : i32 to vector<16xi32>
        %add3A_180 = arith.addi %gather3A_153, %add3A_179 : vector<16xi32>
        %eq3A_181 = arith.constant 3 : i32
        %eq3A_182 = vector.broadcast %eq3A_181 : i32 to vector<16xi32>
        %eq3A_183 = arith.cmpi eq, %and3A_150, %eq3A_182 : vector<16xi32>
        tpu.vector_store_idx %arg13[%add3A_180], %select_n3A_170 masked %eq3A_183 : memref<4608xf32, #tpu.memory_space<vmem>>[vector<16xi32>], vector<16xf32>, vector<16xi1>
      }
      %while3A_96 = arith.constant 1 : i32
      scf.for %while3A_99 = %while3A_94 to %while3A_90 step %while3A_96  : i32 {
        %mul3A_100 = arith.constant 2 : i32
        %mul3A_101 = arith.muli %while3A_99, %mul3A_100 : i32
        %mul3A_102 = arith.constant 16 : i32
        %mul3A_103 = arith.muli %mul3A_101, %mul3A_102 : i32
        %add3A_104 = vector.broadcast %mul3A_103 : i32 to vector<16xi32>
        %add3A_105 = arith.addi %add3A_104, %iota3A : vector<16xi32>
        %shift_right_arithmetic3A_106 = arith.constant 2 : i32
        %shift_right_arithmetic3A_107 = vector.broadcast %shift_right_arithmetic3A_106 : i32 to vector<16xi32>
        %shift_right_arithmetic3A_108 = arith.shrsi %add3A_105, %shift_right_arithmetic3A_107 : vector<16xi32>
        %and3A_109 = arith.constant 3 : i32
        %and3A_110 = vector.broadcast %and3A_109 : i32 to vector<16xi32>
        %and3A_111 = arith.andi %iota3A, %and3A_110 : vector<16xi32>
        %gather3A = tpu.vector_load_idx %arg9[%shift_right_arithmetic3A_108] : memref<1040xi32, #tpu.memory_space<vmem>>[vector<16xi32>], vector<16xi32>,
        %gather3A_112 = tpu.vector_load_idx %arg12[%add3A_105, %gather3A] : memref<4096x16xf32, #tpu.memory_space<vmem>>[vector<16xi32>, vector<16xi32>], vector<16xf32>,
        %gather3A_113 = tpu.vector_load_idx %arg10[%shift_right_arithmetic3A_108] : memref<1040xi32, #tpu.memory_space<vmem>>[vector<16xi32>], vector<16xi32>,
        %neg3A = arith.constant 0.000000e+00 : f32
        %neg3A_114 = vector.broadcast %neg3A : f32 to vector<16xf32>
        %neg3A_115 = arith.subf %neg3A_114, %gather3A_112 : vector<16xf32>
        %exp3A = math.exp %neg3A_115 : vector<16xf32>
        %add3A_116 = arith.constant 1.000000e+00 : f32
        %add3A_117 = vector.broadcast %add3A_116 : f32 to vector<16xf32>
        %add3A_118 = arith.addf %add3A_117, %exp3A : vector<16xf32>
        %div3A = arith.constant 1.000000e+00 : f32
        %div3A_119 = vector.broadcast %div3A : f32 to vector<16xf32>
        %div3A_120 = arith.divf %div3A_119, %add3A_118 : vector<16xf32>
        %max3A = arith.constant 0.000000e+00 : f32
        %max3A_121 = vector.broadcast %max3A : f32 to vector<16xf32>
        %max3A_122 = arith.maximumf %gather3A_112, %max3A_121 : vector<16xf32>
        %lt3A = arith.constant 3 : i32
        %lt3A_123 = vector.broadcast %lt3A : i32 to vector<16xi32>
        %lt3A_124 = arith.cmpi slt, %and3A_111, %lt3A_123 : vector<16xi32>
        %select_n3A = arith.select %lt3A_124, %div3A_120, %max3A_122 : vector<16xi1>, vector<16xf32>
        %mul3A_125 = arith.constant 3 : i32
        %mul3A_126 = vector.broadcast %mul3A_125 : i32 to vector<16xi32>
        %mul3A_127 = arith.muli %gather3A_113, %mul3A_126 : vector<16xi32>
        %add3A_128 = arith.addi %mul3A_127, %and3A_111 : vector<16xi32>
        %lt3A_129 = arith.constant 3 : i32
        %lt3A_130 = vector.broadcast %lt3A_129 : i32 to vector<16xi32>
        %lt3A_131 = arith.cmpi slt, %and3A_111, %lt3A_130 : vector<16xi32>
        tpu.vector_store_idx %arg13[%add3A_128], %select_n3A masked %lt3A_131 : memref<4608xf32, #tpu.memory_space<vmem>>[vector<16xi32>], vector<16xf32>, vector<16xi1>
        %add3A_132 = arith.constant 3072 : i32
        %add3A_133 = vector.broadcast %add3A_132 : i32 to vector<16xi32>
        %add3A_134 = arith.addi %gather3A_113, %add3A_133 : vector<16xi32>
        %eq3A = arith.constant 3 : i32
        %eq3A_135 = vector.broadcast %eq3A : i32 to vector<16xi32>
        %eq3A_136 = arith.cmpi eq, %and3A_111, %eq3A_135 : vector<16xi32>
        tpu.vector_store_idx %arg13[%add3A_134], %select_n3A masked %eq3A_136 : memref<4608xf32, #tpu.memory_space<vmem>>[vector<16xi32>], vector<16xf32>, vector<16xi1>
        %mul3A_137 = arith.constant 2 : i32
        %mul3A_138 = arith.muli %while3A_99, %mul3A_137 : i32
        %add3A_139 = arith.constant 1 : i32
        %add3A_140 = arith.addi %mul3A_138, %add3A_139 : i32
        %mul3A_141 = arith.constant 16 : i32
        %mul3A_142 = arith.muli %add3A_140, %mul3A_141 : i32
        %add3A_143 = vector.broadcast %mul3A_142 : i32 to vector<16xi32>
        %add3A_144 = arith.addi %add3A_143, %iota3A : vector<16xi32>
        %shift_right_arithmetic3A_145 = arith.constant 2 : i32
        %shift_right_arithmetic3A_146 = vector.broadcast %shift_right_arithmetic3A_145 : i32 to vector<16xi32>
        %shift_right_arithmetic3A_147 = arith.shrsi %add3A_144, %shift_right_arithmetic3A_146 : vector<16xi32>
        %and3A_148 = arith.constant 3 : i32
        %and3A_149 = vector.broadcast %and3A_148 : i32 to vector<16xi32>
        %and3A_150 = arith.andi %iota3A, %and3A_149 : vector<16xi32>
        %gather3A_151 = tpu.vector_load_idx %arg9[%shift_right_arithmetic3A_147] : memref<1040xi32, #tpu.memory_space<vmem>>[vector<16xi32>], vector<16xi32>,
        %gather3A_152 = tpu.vector_load_idx %arg12[%add3A_144, %gather3A_151] : memref<4096x16xf32, #tpu.memory_space<vmem>>[vector<16xi32>, vector<16xi32>], vector<16xf32>,
        %gather3A_153 = tpu.vector_load_idx %arg10[%shift_right_arithmetic3A_147] : memref<1040xi32, #tpu.memory_space<vmem>>[vector<16xi32>], vector<16xi32>,
        %neg3A_154 = arith.constant 0.000000e+00 : f32
        %neg3A_155 = vector.broadcast %neg3A_154 : f32 to vector<16xf32>
        %neg3A_156 = arith.subf %neg3A_155, %gather3A_152 : vector<16xf32>
        %exp3A_157 = math.exp %neg3A_156 : vector<16xf32>
        %add3A_158 = arith.constant 1.000000e+00 : f32
        %add3A_159 = vector.broadcast %add3A_158 : f32 to vector<16xf32>
        %add3A_160 = arith.addf %add3A_159, %exp3A_157 : vector<16xf32>
        %div3A_161 = arith.constant 1.000000e+00 : f32
        %div3A_162 = vector.broadcast %div3A_161 : f32 to vector<16xf32>
        %div3A_163 = arith.divf %div3A_162, %add3A_160 : vector<16xf32>
        %max3A_164 = arith.constant 0.000000e+00 : f32
        %max3A_165 = vector.broadcast %max3A_164 : f32 to vector<16xf32>
        %max3A_166 = arith.maximumf %gather3A_152, %max3A_165 : vector<16xf32>
        %lt3A_167 = arith.constant 3 : i32
        %lt3A_168 = vector.broadcast %lt3A_167 : i32 to vector<16xi32>
        %lt3A_169 = arith.cmpi slt, %and3A_150, %lt3A_168 : vector<16xi32>
        %select_n3A_170 = arith.select %lt3A_169, %div3A_163, %max3A_166 : vector<16xi1>, vector<16xf32>
        %mul3A_171 = arith.constant 3 : i32
        %mul3A_172 = vector.broadcast %mul3A_171 : i32 to vector<16xi32>
        %mul3A_173 = arith.muli %gather3A_153, %mul3A_172 : vector<16xi32>
        %add3A_174 = arith.addi %mul3A_173, %and3A_150 : vector<16xi32>
        %lt3A_175 = arith.constant 3 : i32
        %lt3A_176 = vector.broadcast %lt3A_175 : i32 to vector<16xi32>
        %lt3A_177 = arith.cmpi slt, %and3A_150, %lt3A_176 : vector<16xi32>
        tpu.vector_store_idx %arg13[%add3A_174], %select_n3A_170 masked %lt3A_177 : memref<4608xf32, #tpu.memory_space<vmem>>[vector<16xi32>], vector<16xf32>, vector<16xi1>
        %add3A_178 = arith.constant 3072 : i32
        %add3A_179 = vector.broadcast %add3A_178 : i32 to vector<16xi32>
        %add3A_180 = arith.addi %gather3A_153, %add3A_179 : vector<16xi32>
        %eq3A_181 = arith.constant 3 : i32
        %eq3A_182 = vector.broadcast %eq3A_181 : i32 to vector<16xi32>
        %eq3A_183 = arith.cmpi eq, %and3A_150, %eq3A_182 : vector<16xi32>
        tpu.vector_store_idx %arg13[%add3A_180], %select_n3A_170 masked %eq3A_183 : memref<4608xf32, #tpu.memory_space<vmem>>[vector<16xi32>], vector<16xf32>, vector<16xi1>
      }
      %mul3A_97 = arith.constant 3 : i32
      %mul3A_98 = arith.muli %mul3A_18, %mul3A_97 : i32
      "tpu.region"() ({
        %run_scoped3A = tpu.sem_alloc : memref<!tpu.dma_semaphore, #tpu.memory_space<semaphore_mem>>
        %dma_start3A = arith.constant 0 : i32
        %dma_start3A_99 = tpu.memref_slice %arg13[%dma_start3A] : memref<4608xf32, #tpu.memory_space<vmem>> -> memref<3072xf32, #tpu.memory_space<vmem>>
        %dma_start3A_100 = tpu.memref_slice %arg5[%mul3A_98] : memref<3145728xf32, #tpu.memory_space<hbm>> -> memref<3072xf32, #tpu.memory_space<hbm>>
        %dma_start3A_101 = tpu.memref_slice %arg5[%mul3A_98] : memref<3145728xf32, #tpu.memory_space<hbm>> -> memref<3072xf32, #tpu.memory_space<hbm>>
        %dma_start3A_102 = arith.constant 0 : i32
        %dma_start3A_103 = tpu.memref_slice %arg13[%dma_start3A_102] : memref<4608xf32, #tpu.memory_space<vmem>> -> memref<3072xf32, #tpu.memory_space<vmem>>
        tpu.enqueue_dma source(%dma_start3A_103 : memref<3072xf32, #tpu.memory_space<vmem>>) target(%dma_start3A_101 : memref<3072xf32, #tpu.memory_space<hbm>>) target_semaphore(%run_scoped3A : memref<!tpu.dma_semaphore, #tpu.memory_space<semaphore_mem>>)
        %dma_wait3A = arith.constant 0 : i32
        %dma_wait3A_104 = tpu.memref_slice %arg13[%dma_wait3A] : memref<4608xf32, #tpu.memory_space<vmem>> -> memref<3072xf32, #tpu.memory_space<vmem>>
        %dma_wait3A_105 = tpu.memref_slice %arg5[%mul3A_98] : memref<3145728xf32, #tpu.memory_space<hbm>> -> memref<3072xf32, #tpu.memory_space<hbm>>
        %dma_wait3A_106 = tpu.memref_slice %arg5[%mul3A_98] : memref<3145728xf32, #tpu.memory_space<hbm>> -> memref<3072xf32, #tpu.memory_space<hbm>>
        %dma_wait3A_107 = arith.constant 0 : i32
        %dma_wait3A_108 = tpu.memref_slice %arg13[%dma_wait3A_107] : memref<4608xf32, #tpu.memory_space<vmem>> -> memref<3072xf32, #tpu.memory_space<vmem>>
        tpu.wait_dma2 semaphore(%run_scoped3A : memref<!tpu.dma_semaphore, #tpu.memory_space<semaphore_mem>>) src(%dma_wait3A_108 : memref<3072xf32, #tpu.memory_space<vmem>>) dst(%dma_wait3A_106 : memref<3072xf32, #tpu.memory_space<hbm>>)
        tpu.yield
      }) : () -> ()
      "tpu.region"() ({
        %run_scoped3A = tpu.sem_alloc : memref<!tpu.dma_semaphore, #tpu.memory_space<semaphore_mem>>
        %dma_start3A = arith.constant 3072 : i32
        %dma_start3A_99 = tpu.memref_slice %arg13[%dma_start3A] : memref<4608xf32, #tpu.memory_space<vmem>> -> memref<1024xf32, #tpu.memory_space<vmem>>
        %dma_start3A_100 = tpu.memref_slice %arg6[%mul3A_18] : memref<1048576xf32, #tpu.memory_space<hbm>> -> memref<1024xf32, #tpu.memory_space<hbm>>
        %dma_start3A_101 = tpu.memref_slice %arg6[%mul3A_18] : memref<1048576xf32, #tpu.memory_space<hbm>> -> memref<1024xf32, #tpu.memory_space<hbm>>
        %dma_start3A_102 = arith.constant 3072 : i32
        %dma_start3A_103 = tpu.memref_slice %arg13[%dma_start3A_102] : memref<4608xf32, #tpu.memory_space<vmem>> -> memref<1024xf32, #tpu.memory_space<vmem>>
        tpu.enqueue_dma source(%dma_start3A_103 : memref<1024xf32, #tpu.memory_space<vmem>>) target(%dma_start3A_101 : memref<1024xf32, #tpu.memory_space<hbm>>) target_semaphore(%run_scoped3A : memref<!tpu.dma_semaphore, #tpu.memory_space<semaphore_mem>>)
        %dma_wait3A = arith.constant 3072 : i32
        %dma_wait3A_104 = tpu.memref_slice %arg13[%dma_wait3A] : memref<4608xf32, #tpu.memory_space<vmem>> -> memref<1024xf32, #tpu.memory_space<vmem>>
        %dma_wait3A_105 = tpu.memref_slice %arg6[%mul3A_18] : memref<1048576xf32, #tpu.memory_space<hbm>> -> memref<1024xf32, #tpu.memory_space<hbm>>
        %dma_wait3A_106 = tpu.memref_slice %arg6[%mul3A_18] : memref<1048576xf32, #tpu.memory_space<hbm>> -> memref<1024xf32, #tpu.memory_space<hbm>>
        %dma_wait3A_107 = arith.constant 3072 : i32
        %dma_wait3A_108 = tpu.memref_slice %arg13[%dma_wait3A_107] : memref<4608xf32, #tpu.memory_space<vmem>> -> memref<1024xf32, #tpu.memory_space<vmem>>
        tpu.wait_dma2 semaphore(%run_scoped3A : memref<!tpu.dma_semaphore, #tpu.memory_space<semaphore_mem>>) src(%dma_wait3A_108 : memref<1024xf32, #tpu.memory_space<vmem>>) dst(%dma_wait3A_106 : memref<1024xf32, #tpu.memory_space<hbm>>)
        tpu.yield
      }) : () -> ()
    }
    %scan3A_12 = arith.constant 32 : i32
    return
  }
}

</mosaic_0001>

<sc_bundles>
// kernel: kernel.3.cloned.1.call-start
scs
__scs_entry_jumppad:
0x0: {  	(pc) =	sbr.rel $0x88, $3  }
0x1: {  	(tag) =	ssettag $0x0;
	lr =	simm.s32 $0x1  }
0x2: {  	[smem:$0x3F9F] =	sst lr;
	_ =	strace $0xD0000000  }
0x3: {  	_ = 	snop  }
0x4: {  	_ = 	snop  }
0x5: {  	_ = 	snop  }
0x6: {  	_ = 	snop  }
0x7: {  	_ = 	snop  }
__scs_overlays_trampoline_lowered:
0x8: {  	[smem:$0x3FAE] =	sst s0  }
0x9: {  	[smem:$0x3FAF] =	sst s1  }
0xa: {  	[smem:$0x3FB0] =	sst s2  }
0xb: {  	[smem:$0x3FB1] =	sst s3  }
0xc: {  	[smem:$0x3FB2] =	sst s4  }
0xd: {  	[smem:$0x3FB3] =	sst s5  }
0xe: {  	[smem:$0x3FB4] =	sst s6  }
0xf: {  	[smem:$0x3FB5] =	sst s7  }
0x10: {  	[smem:$0x3FB6] =	sst s8  }
0x11: {  	[smem:$0x3FB7] =	sst s9;
	s0 =	simm.s32 @!p0 $0x0  }
0x12: {  	s1 =	sld [smem:$0x3F9D];
	s0 =	simm.s32 @p0 $0x1  }
0x13: {  	[smem:$0x3FB8] =	sst s0;
	s0 =	simm.s32 @!p1 $0x0  }
0x14: {  	s2 =	sld [smem:$0x3F9C];
	s0 =	simm.s32 @p1 $0x1  }
0x15: {  	[smem:$0x3FB9] =	sst s0;
	s0 =	simm.s32 @!p2 $0x0  }
0x16: {  	s3 =	sld [smem:$0x3FDB];
	s0 =	simm.s32 @p2 $0x1  }
0x17: {  	s4 =	simm.s32 $0x1BF5;
	[smem:$0x3FBB] =	sst s0  }
0x18: {  	s0 =	sld [smem:$0x3F9E];
	_ =	swait.ge [sflag:s4], $0x0  }
0x19: {  	s7 =	sld [smem:$0x3F9F]  }
0x1a: {  	s8 =	sadd.s32 $0xFFFFE003, lr  }
0x1b: {  	s9 =	sadd.s32 $0xFFFFFEF7, lr;
	s5 =	simm.s32 $0xFFFFFFFF;
	p2 =	slt.u32 s8, $0xFFFFF086  }
0x1c: {  	p1 =	slt.u32 s9, $0xF7A;
	s5 =	simm.s32 @!p2 $0x0  }
0x1d: {  	s5 =	simm.s32 @p1 $0x1;
	p0 =	seq.s32 s7, s2  }
0x1e: {  	s7 =	smul.u32 @!p0 $0xF7A, s2;
	p2 =	seq.s32 @!p0 s5, $0x0  }
0x1f: {  	s9 =	smul.u32 $0xF7A, s1;
	s8 =	simm.s32 @!p0 $0x1BF5;
	p2 =	por !p2, p0  }
0x20: {  	[sflag:s8] =	ssyncset.s32 @!p0 $0xFFFFF086;
	s6 =	sadd.s32 @!p0 s3, s7;
	s7 =	simm.s32 @!p0 $0x108  }
0x21: {  	s3 =	sadd.s32 s3, s9;
	s6 =	sadd.s32 @!p0 $0x88, s6;
	s7 =	simm.s32 @p2 $0x1082  }
0x22: {  	[simem:s7], [sflag:s8] =	dma.local @!p0 [hbm:s6], $0xF7A  }
0x23: {  	s9 =	sor.u32 $0xD0000000, s2;
	s6 =	simm.s32 $0x108;
	_ =	swait.ge @!p0 [sflag:s8], $0x0  }
0x24: {  	s3 =	sadd.s32 $0x88, s3;
	s6 =	simm.s32 @!p1 $0x1082;
	[sflag:s4] =	ssyncset.s32 $0xFFFFF086  }
0x25: {  	[simem:s6], [sflag:s4] =	dma.local [hbm:s3], $0xF7A  }
0x26: {  	[smem:$0x3F9F] =	sst s1;
	(tag) =	ssettag s2;
	_ =	strace s9  }
0x27: {  	s1 =	sld [smem:$0x3FAF]  }
0x28: {  	s2 =	sld [smem:$0x3FB0]  }
0x29: {  	s4 =	sld [smem:$0x3FB2]  }
0x2a: {  	p0 =	seq.s32 s5, $0x0;
	s5 =	sld [smem:$0x3FB3]  }
0x2b: {  	s6 =	sld [smem:$0x3FB4]  }
0x2c: {  	s7 =	sld [smem:$0x3FB5]  }
0x2d: {  	s3 =	simm.s32 $0x108;
	s8 =	sld [smem:$0x3FB6]  }
0x2e: {  	s3 =	simm.s32 @!p0 $0x1082;
	s9 =	sld [smem:$0x3FB7]  }
0x2f: {  	lr =	sadd.s32 s0, s3;
	s0 =	sld [smem:$0x3FAE]  }
0x30: {  	s3 =	sld [smem:$0x3FB1]  }
0x31: {  	[smem:$0x3FBA] =	sst s10  }
0x32: {  	s10 =	sld [smem:$0x3FB8];
	_ =	sdelay $0x3  }
0x33: {  	p0 =	seq.s32 s10, $0x1;
	s10 =	sld [smem:$0x3FBA];
	_ =	sdelay $0x3  }
0x34: {  	[smem:$0x3FBA] =	sst s10  }
0x35: {  	s10 =	sld [smem:$0x3FB9];
	_ =	sdelay $0x3  }
0x36: {  	p1 =	seq.s32 s10, $0x1;
	s10 =	sld [smem:$0x3FBA];
	_ =	sdelay $0x3  }
0x37: {  	[smem:$0x3FBA] =	sst s10  }
0x38: {  	s10 =	sld [smem:$0x3FBB]  }
0x39: {  	_ = 	snop;
	(pc) =	sbr.ind lr, $3  }
0x3a: {  	_ = 	snop  }
0x3b: {  	_ = 	snop  }
0x3c: {  	p2 =	seq.s32 s10, $0x1;
	s10 =	sld [smem:$0x3FBA]  }
0x3d: {  	_ =	shalt  }
0x3e: {  	_ =	shalt  }
0x3f: {  	_ =	shalt  }
0x40: {  	_ =	shalt  }
0x41: {  	_ =	shalt  }
0x42: {  	_ =	shalt  }
0x43: {  	_ =	shalt  }
0x44: {  	_ =	shalt  }
0x45: {  	_ =	shalt  }
0x46: {  	_ =	shalt  }
0x47: {  	_ =	shalt  }
0x48: {  	_ =	shalt  }
0x49: {  	_ =	shalt  }
0x4a: {  	_ =	shalt  }
0x4b: {  	_ =	shalt  }
0x4c: {  	_ =	shalt  }
0x4d: {  	_ =	shalt  }
0x4e: {  	_ =	shalt  }
0x4f: {  	_ =	shalt  }
0x50: {  	_ =	shalt  }
0x51: {  	_ =	shalt  }
0x52: {  	_ =	shalt  }
0x53: {  	_ =	shalt  }
0x54: {  	_ =	shalt  }
0x55: {  	_ =	shalt  }
0x56: {  	_ =	shalt  }
0x57: {  	_ =	shalt  }
0x58: {  	_ =	shalt  }
0x59: {  	_ =	shalt  }
0x5a: {  	_ =	shalt  }
0x5b: {  	_ =	shalt  }
0x5c: {  	_ =	shalt  }
0x5d: {  	_ =	shalt  }
0x5e: {  	_ =	shalt  }
0x5f: {  	_ =	shalt  }
0x60: {  	_ =	shalt  }
0x61: {  	_ =	shalt  }
0x62: {  	_ =	shalt  }
0x63: {  	_ =	shalt  }
0x64: {  	_ =	shalt  }
0x65: {  	_ =	shalt  }
0x66: {  	_ =	shalt  }
0x67: {  	_ =	shalt  }
0x68: {  	_ =	shalt  }
0x69: {  	_ =	shalt  }
0x6a: {  	_ =	shalt  }
0x6b: {  	_ =	shalt  }
0x6c: {  	_ =	shalt  }
0x6d: {  	_ =	shalt  }
0x6e: {  	_ =	shalt  }
0x6f: {  	_ =	shalt  }
0x70: {  	_ =	shalt  }
0x71: {  	_ =	shalt  }
0x72: {  	_ =	shalt  }
0x73: {  	_ =	shalt  }
0x74: {  	_ =	shalt  }
0x75: {  	_ =	shalt  }
0x76: {  	_ =	shalt  }
0x77: {  	_ =	shalt  }
0x78: {  	_ =	shalt  }
0x79: {  	_ =	shalt  }
0x7a: {  	_ =	shalt  }
0x7b: {  	_ =	shalt  }
0x7c: {  	_ =	shalt  }
0x7d: {  	_ =	shalt  }
0x7e: {  	_ =	shalt  }
0x7f: {  	_ =	shalt  }
0x80: {  	_ =	shalt  }
0x81: {  	_ =	shalt  }
0x82: {  	_ =	shalt  }
0x83: {  	_ =	shalt  }
0x84: {  	_ =	shalt  }
0x85: {  	_ =	shalt  }
0x86: {  	_ =	shalt  }
0x87: {  	_ =	shalt  }
.Lfunc_end0:
.L_simem_size_0:
called_computation_lowered:
.L_overlay_start_0:
0x88: {  	s2 =	sld [smem:$0x3FD9]  }
0x89: {  	s3 =	sld [smem:$0x3FFE];
	_ =	sdelay $0x1  }
0x8a: {  	s1 =	srdreg.scid  }
0x8b: {  	s0 =	sand.u32 $0x1, s1  }
0x8c: {  	s14 =	sshll.u32 s0, $0xA;
	s2 =	sadd.s32 s3, s2  }
0x8d: {  	s2 =	sadd.s32 s2, s14  }
0x8e: {  	[smem:$0x3FC6] =	sst s2  }
0x8f: {  	_ = 	snop  }
0x90: {  	s2 =	sld [smem:$0x3FD0];
	_ =	sdelay $0x2  }
0x91: {  	s4 =	simm.s32 $0xA;
	s5 =	simm.s32 $0x10;
	s15 =	sld [smem:$0x3FC8]  }
0x92: {  	[smem:s5], [sflag:s4] =	dma.local [hbm:s2], $0x1  }
0x93: {  	_ =	swait.eq [sflag:s4], $0x1  }
0x94: {  	[sflag:s4] =	ssyncset.done $0x0  }
0x95: {  	s16 =	sld [smem:$0x10];
	[sflag:s4] =	ssyncadd.s32 $0xFFFFFFFF  }
0x96: {  	s17 =	sld [smem:$0x11];
	(tm) =	ssettm $0x1  }
0x97: {  	s18 =	sld [smem:$0x3FFB];
	_ =	sdelay $0x3  }
0x98: {  	_ =	strace s18  }
0x99: {  	s5 =	sld [smem:$0x3FFC];
	_ =	sdelay $0x3  }
0x9a: {  	_ =	strace s5  }
0x9b: {  	s5 =	sld [smem:$0x3FFD];
	_ =	sdelay $0x3  }
0x9c: {  	_ =	strace s5  }
0x9d: {  	_ =	strace $0x8FFFFFFF  }
0x9e: {  	s19 =	sld [smem:$0x3FDB];
	_ =	sdelay $0x1  }
0x9f: {  	s6 =	simm.s32 $_scs_section_size  }
0xa0: {  	s7 =	simm.s32 $_size__tile_overlayer_lowered;
	s8 =	simm.s32 $_tile_overlayer_lowered  }
0xa1: {  	s22 =	simm.s32 $0x1BFF;
	s21 =	sshll.u32 s8, $0x1;
	s5 =	sadd.s32 s6, s19  }
0xa2: {  	s9 =	simm.s32 $0x0;
	s20 =	sshll.u32 s7, $0x1;
	s7 =	sadd.s32 s21, s5  }
0xa3: {  	[timem:s9], [sflag:s22] =	dma.local [hbm:s7], s20  }
0xa4: {  	_ =	swait.ge [sflag:s22], s20  }
0xa5: {  	s6 =	ssub.s32 $0x0, s20;
	[sflag:s22] =	ssyncset.done $0x0  }
0xa6: {  	[sflag:s22] =	ssyncadd.s32 s6;
	_ =	sdelay $0x1  }
0xa7: {  	s23 =	simm.s32 $0x1B8B  }
0xa8: {  	_ =	swait.ge [sflag:s23], $0x1  }
0xa9: {  	[sflag:s23] =	ssyncset.done $0x0  }
0xaa: {  	s25 =	simm.s32 $0x1B8E;
	s24 =	sld [smem:$0x3FFE];
	[sflag:s23] =	ssyncadd.s32 $0xFFFFFFFF  }
0xab: {  	s26 =	simm.s32 $execute0_lowered;
	[smem:$0x3FD2] =	sst s25  }
0xac: {  	s7 =	sshll.u32 s26, $0x1;
	_ =	strace $0x80000046;
	[dreg:$0x1] =	wrdreg $0xFFFFFFFF  }
0xad: {  	s28 =	simm.s32 $_size_execute0_lowered;
	s5 =	sadd.s32 s5, s7;
	[dreg:$0x0] =	wrdreg $0x0  }
0xae: {  	s7 =	sshll.u32 s28, $0x1;
	[dreg:$0x2] =	wrdreg s5  }
0xaf: {  	[dreg:$0x3] =	wrdreg s7  }
0xb0: {  	[dreg:$0x4] =	wrdreg $0xC0  }
0xb1: {  	_ =	task [dreg:s9], $0x5FFFF  }
0xb2: {  	[dreg:$0x1] =	wrdreg $0xFFFFFFFF  }
0xb3: {  	[dreg:$0x0] =	wrdreg $0x60  }
0xb4: {  	[dreg:$0x2] =	wrdreg s15  }
0xb5: {  	[dreg:$0x3] =	wrdreg s16  }
0xb6: {  	[dreg:$0x4] =	wrdreg s24  }
0xb7: {  	[dreg:$0x5] =	wrdreg s17  }
0xb8: {  	[dreg:$0x6] =	wrdreg $0x9  }
0xb9: {  	_ =	task.clear_ibuf [dreg:s9], $0x7FFFF;
	_ =	strace $0x90000046  }
0xba: {  	s29 =	simm.s32 $0x9;
	_ =	strace $0x80000048  }
0xbb: {  	_ =	swait.ge [sflag:s29], $0x1  }
0xbc: {  	[sflag:s29] =	ssyncadd.s32 $0xFFFFFFFF  }
0xbd: {  	_ =	strace $0x90000048  }
0xbe: {  	_ =	sfence  }
0xbf: {  	s30 =	sld [smem:$0x0];
	_ =	sdelay $0x2  }
0xc0: {  	s31 =	sshll.u32 s1, $0xD;
	s1 =	sshrl.u32 s1, $0x2  }
0xc1: {  	s3 =	sand.u32 $0x4000, s31;
	s1 =	sadd.s32 s1, s30  }
0xc2: {  	s0 =	sor.u32 s3, s0;
	s1 =	sshll.u32 s1, $0x11  }
0xc3: {  	s0 =	sor.u32 s1, s0  }
0xc4: {  	s0 =	sadd.s32 $0x8F2B, s0  }
0xc5: {  	[sflag:s0] =	ssyncadd.remote.s32 $0x1  }
0xc6: {  	_ =	sfence.sel $0xFFFF  }
0xc7: {  	[dreg:$0x0] =	wrdreg $0xFFFFFFFF;
	(pc) =	sbr.abs _section_cstart, $3  }
0xc8: {  	[dreg:$0x1] =	wrdreg $0xFFFFFFFF  }
0xc9: {  	_ =	task.clear_ibuf [dreg:s9], $0x2FFFF;
	_ =	strace $0x9FFFFFFF  }
0xca: {  	(tm) =	ssettm $0x7FFFFFFF  }
0xcb: {  	_ =	shalt  }
tec
execute0_lowered:
.L_overlay_start_1:
0x0: {  	(tag) =	ssettag $0x1  }
0x1: {  	s1 =	rddreg [dreg:$0x0]  }
0x2: {  	s2 =	rddreg [dreg:$0x1]  }
0x3: {  	s0 =	rddreg [dreg:$0x2]  }
0x4: {  	s3 =	rddreg [dreg:$0x3];
	s4 =	simm.s32 $0x0  }
0x5: {  	s5 =	srdreg.scid;
	s9 =	stileid.u32;
	s10 =	simm.s32 $0x2  }
0x6: {  	vm0 =	vcmask $0x1B10;
	vm1 =	vcmask $0xB00;
	s11 =	simm.s32 $0x12830;
	s12 =	simm.s32 $0xC00;
	s13 =	simm.s32 $0x200  }
0x7: {  	s14 =	simm.s32 $0x1830;
	s15 =	simm.s32 $0x2830;
	s16 =	simm.s32 $0x1;
	vm0 =	vmor vm1, vm0;
	vm1 =	vcmask $0x2B20  }
0x8: {  	s17 =	simm.s32 $0x1E30;
	s18 =	simm.s32 $0x8830;
	s19 =	simm.s32 $0x1010;
	vm0 =	vmor vm0, vm1;
	vm1 =	vcmask $0x3B30  }
0x9: {  	vm2 =	vcmask $0xF0C;
	s20 =	simm.s32 $0x1420;
	s21 =	simm.s32 $0x13430;
	s5 =	sand.u32 $0x1, s5;
	vm0 =	vmor vm0, vm1;
	vm1 =	vcmask $0x1F1C  }
.Ltmp0:
0xa: {  	s22 =	simm.s32 $0x0;
	s8 =	ssub.s32 $0x2, s5;
	vm1 =	vmor vm2, vm1;
	vm2 =	vcmask $0x2F2C;
	(pc) =	sbr.rel .LBB2_1-.Ltmp0, $4  }
0xb: {  	s23 =	simm.s32 $0x0;
	[smem:$0x7FF] =	sst s4;
	s30 =	sshrl.u32 s8, $0x1;
	vm1 =	vmor vm1, vm2;
	vm2 =	vcmask $0x3F3C  }
0xc: {  	v1 =	vlaneseq.u32;
	s6 =	sadd.s32 $0xC00, s0;
	s7 =	sadd.s32 $0x1000, s0;
	s0 =	ssub.s32 s8, s30;
	vm1 =	vmor vm1, vm2  }
0xd: {  	s31 =	sshll.u32 s9, $0x6;
	v2 =	vand.u32 $0x3, v1;
	s5 =	sshll.u32 s5, $0x5;
	s0 =	smax.u32 s0, $0x1  }
0xe: {  	v0 =	vimm.s32 $0x0;
	v3 =	vimm.s32 $0x560;
	_ =	strace $0x80000047;
	v4 =	vmul.u32 $0x8, v2;
	s8 =	sor.u32 s5, s31;
	[dreg:$0x5] =	wrdreg s0  }
.LBB2_22:
0xf: {  	s22 =	sadd.s32 $0x1, s22;
	s0 =	rddreg [dreg:$0x5]  }
0x10: {  	p0 =	sne.s32 s22, s0  }
.Ltmp1:
0x11: {  	_ = 	snop;
	(pc) =	sbr.rel @!p0 .LBB2_23-.Ltmp1, $1  }
0x12: {  	_ =	sdelay $0x3  }
.LBB2_1:
0x13: {  	s0 =	simm.s32 $0x40;
	s5 =	simm.s32 $0x0  }
.LBB2_2:
0x14: {  	p0 =	sne.s32 s0, $0x3FC0;
	[tilespmem:s5+$0x1830] =	vst v0;
	s5 =	smov.u32 s0;
	s0 =	sadd.s32 $0x40, s0  }
.Ltmp2:
0x15: {  	(pc) =	sbr.rel @p0 .LBB2_2-.Ltmp2, $2  }
0x16: {  	_ =	sdelay $0x2  }
0x17: {  	s5 =	sshra.s32 s5, $0x2  }
.Ltmp3:
0x18: {  	(pc) =	sbr.rel .LBB2_4-.Ltmp3, $2  }
0x19: {  	_ =	sdelay $0x2  }
0x1a: {  	[tilespmem:s5+$0x1830] =	vst v0;
	s24 =	simm.s32 $0x0  }
.LBB2_17:
0x1b: {  	_ = 	snop  }
.LBB2_20:
0x1c: {  	_ =	sdelay $0x2  }
0x1d: {  	v5 =	vmax.f32 @p0 v5, $0.0e+00;
	v10 =	vpop @p0 (erf)  }
0x1e: {  	v5 =	vsel @p0 vm0, v10, v5  }
0x1f: {  	[tilespmem:v8+s11+$0x0] =	vst.idx.msk @p0 vm0, v5  }
0x20: {  	[tilespmem:v9+s11+$0x0] =	vst.idx.msk @p0 vm1, v5  }
0x21: {  	v5 =	vld.idx.msk [tilespmem:v6+s19+$0x0], $0xffff;
	_ =	sdelay $0x4  }
0x22: {  	v7 =	vshll.u32 v7, $0x4;
	v59 =	vand.u32 $0xFFFFFFF8, v5  }
0x23: {  	v5 =	vand.u32 $0x7, v5;
	v7 =	vadd.s32 v7, v59  }
0x24: {  	v5 =	vor.u32 v5, v7;
	_ =	sdelay $0x4  }
0x25: {  	v5 =	vld.idx.msk [tilespmem:v5+s15+$0x0], $0xffff;
	_ =	sdelay $0x4  }
0x26: {  	v7 =	vsub.f32 $0.0e+00, v5;
	_ =	sdelay $0x1  }
0x27: {  	v7 =	vmul.f32 $1.442695020e+00, v7;
	_ =	sdelay $0x1  }
0x28: {  	(erf) = vpow2.f32 v7;
	_ =	sdelay $0x8  }
0x29: {  	v7 =	vpop (erf)  }
0x2a: {  	v7 =	vadd.f32 $1.000000000e+00, v7  }
0x2b: {  	v6 =	vld.idx.msk [tilespmem:v6+s20+$0x0], $0xffff  }
0x2c: {  	(erf) = vrcp.f32 v7;
	_ =	sdelay $0x3  }
0x2d: {  	v7 =	vmul.u32 $0x3, v6;
	_ =	sdelay $0x1  }
0x2e: {  	v7 =	vadd.s32 v2, v7  }
0x2f: {  	v60 =	vor.u32 s28, v1;
	v6 =	vadd.s32 $0xC00, v6  }
0x30: {  	v61 =	vshra.s32 v60, $0x2  }
0x31: {  	v5 =	vmax.f32 v5, $0.0e+00;
	v62 =	vpop (erf)  }
0x32: {  	v5 =	vsel vm0, v62, v5  }
0x33: {  	[tilespmem:v7+s11+$0x0] =	vst.idx.msk vm0, v5  }
0x34: {  	[tilespmem:v6+s11+$0x0] =	vst.idx.msk vm1, v5  }
0x35: {  	v5 =	vld.idx.msk [tilespmem:v61+s19+$0x0], $0xffff;
	_ =	sdelay $0x4  }
0x36: {  	v7 =	vshll.u32 v60, $0x4;
	v6 =	vand.u32 $0xFFFFFFF8, v5  }
0x37: {  	v5 =	vand.u32 $0x7, v5;
	v6 =	vadd.s32 v7, v6  }
0x38: {  	v5 =	vor.u32 v5, v6;
	_ =	sdelay $0x4  }
0x39: {  	v5 =	vld.idx.msk [tilespmem:v5+s15+$0x0], $0xffff;
	_ =	sdelay $0x4  }
0x3a: {  	v6 =	vsub.f32 $0.0e+00, v5;
	_ =	sdelay $0x1  }
0x3b: {  	v6 =	vmul.f32 $1.442695020e+00, v6;
	_ =	sdelay $0x1  }
0x3c: {  	(erf) = vpow2.f32 v6;
	_ =	sdelay $0x8  }
0x3d: {  	v6 =	vpop (erf)  }
0x3e: {  	v6 =	vadd.f32 $1.000000000e+00, v6  }
0x3f: {  	v7 =	vld.idx.msk [tilespmem:v61+s20+$0x0], $0xffff  }
0x40: {  	(erf) = vrcp.f32 v6;
	_ =	sdelay $0x3  }
0x41: {  	v6 =	vmul.u32 $0x3, v7;
	_ =	sdelay $0x1  }
0x42: {  	v6 =	vadd.s32 v2, v6  }
0x43: {  	v7 =	vadd.s32 $0xC00, v7;
	_ =	sdelay $0x1  }
0x44: {  	v5 =	vmax.f32 v5, $0.0e+00;
	v63 =	vpop (erf)  }
0x45: {  	v5 =	vsel vm0, v63, v5  }
0x46: {  	[tilespmem:v6+s11+$0x0] =	vst.idx.msk vm0, v5  }
0x47: {  	[tilespmem:v7+s11+$0x0] =	vst.idx.msk vm1, v5  }
.LBB2_21:
0x48: {  	s0 =	sadd.s32 s7, s26  }
0x49: {  	[hbm4b:s0+s4] =	stream.linear.scatter [tilespmem:s11], [sflag:$0x2], $0xC00, $0x38;
	[tilespmem:$0x13A30] =	vst v63  }
0x4a: {  	s24 =	sadd.s32 $0x1, s24;
	_ =	swait.ge [sflag:s10], $0xC00  }
0x4b: {  	s31 =	sshll.u32 s25, $0x7;
	p0 =	sne.s32 s24, $0x20;
	[sflag:s10] =	ssyncset.done $0x0  }
.Ltmp4:
0x4c: {  	s0 =	sadd.s32 s3, s31;
	[sflag:s10] =	ssyncadd.s32 $0xFFFFF400;
	(pc) =	sbr.rel @!p0 .LBB2_22-.Ltmp4, $4  }
0x4d: {  	[hbm4b:s0+s4] =	stream.linear.scatter [tilespmem:s21], [sflag:$0x2], $0x400, $0x38;
	[tilespmem:$0x13A30] =	vst v63  }
0x4e: {  	_ =	swait.ge [sflag:s10], $0x400  }
0x4f: {  	[sflag:s10] =	ssyncset.done $0x0  }
0x50: {  	[sflag:s10] =	ssyncadd.s32 $0xFFFFFC00  }
.LBB2_4:
0x51: {  	s25 =	sadd.s32 s8, s24  }
0x52: {  	s26 =	smul.u32 $0x180, s25;
	_ =	sdelay $0x1  }
0x53: {  	s0 =	sadd.s32 s2, s26  }
0x54: {  	[tilespmem:s23], [sflag:$0x2] =	stream.linear.gather [hbm4b:s0+s23], $0xC00, $0x38;
	[tilespmem:$0x13A30] =	vst v63  }
0x55: {  	_ =	swait.ge [sflag:s10], $0xC00  }
0x56: {  	[sflag:s10] =	ssyncset.done $0x0  }
0x57: {  	[sflag:s10] =	ssyncadd.s32 $0xFFFFF400  }
0x58: {  	[tilespmem:s11], [sflag:$0x2] =	stream.linear.gather [hbm4b:s6+s23], $0x1200, $0x38;
	[tilespmem:$0x13A30] =	vst v63  }
0x59: {  	_ =	swait.ge [sflag:s10], $0x1200  }
0x5a: {  	[sflag:s10] =	ssyncset.done $0x0  }
0x5b: {  	s9 =	simm.s32 $0x410;
	[sflag:s10] =	ssyncadd.s32 $0xFFFFEE00  }
0x5c: {  	v5 =	vld [tilespmem:s9+$0xFFFFFBF0]  }
0x5d: {  	v6 =	vld [tilespmem:s9+$0xFFFFFFF0]  }
0x5e: {  	v7 =	vld [tilespmem:s9+$0x3F0];
	_ =	sdelay $0x2  }
0x5f: {  	v8 =	vmul.f32 $1.280000000e+02, v5  }
0x60: {  	v9 =	vmul.f32 $1.280000000e+02, v6  }
0x61: {  	v10 =	vmul.f32 $1.280000000e+02, v7;
	v8 =	vadd.f32 $6.400000000e+01, v8  }
0x62: {  	v9 =	vadd.f32 $6.400000000e+01, v9  }
0x63: {  	v5 =	vand.u32 $0x7FFFFFFF, v5;
	v10 =	vadd.f32 $6.400000000e+01, v10;
	v8 =	vtrunc.f32 v8  }
0x64: {  	v6 =	vand.u32 $0x7FFFFFFF, v6;
	v9 =	vtrunc.f32 v9;
	v8 =	vcvt.f32.s32 v8  }
0x65: {  	vm2 =	vlt.f32 v6, $5.000000000e-01;
	v59 =	vtrunc.f32 v10;
	v6 =	vcvt.f32.s32 v9  }
0x66: {  	v7 =	vand.u32 $0x7FFFFFFF, v7;
	v9 =	vcvt.f32.s32 v59;
	vm3 =	vgt.s32 v8, $0x0  }
0x67: {  	vm4 =	vlt.f32 v7, $5.000000000e-01;
	v7 =	vnsel vm3, $0x0, v8;
	vm3 =	vgt.s32 v6, $0x0  }
0x68: {  	vm5 =	vlt.f32 v5, $5.000000000e-01;
	v6 =	vnsel vm3, $0x0, v6;
	vm3 =	vgt.s32 v9, $0x0  }
0x69: {  	v5 =	vmin.u32 v7, $0x7F;
	v6 =	vmin.u32 v6, $0x7F;
	v7 =	vnsel vm3, $0x0, v9  }
0x6a: {  	v5 =	vshll.u32 v5, $0xC;
	v7 =	vmin.u32 v7, $0x7F;
	v6 =	vshll.u32 v6, $0x5  }
0x6b: {  	vm2 =	vmand vm5, vm2;
	v5 =	vor.u32 v5, v6;
	v6 =	vshrl.u32 v7, $0x4  }
0x6c: {  	vm2 =	vmand vm2, vm4;
	v5 =	vor.u32 v6, v5  }
0x6d: {  	v8 =	vmpcnt.ones.xlane vm2;
	[tilespmem:s23+$0xC00] =	vst.msk vm2, v5;
	v5 =	vand.u32 $0xF, v7  }
0x6e: {  	v6 =	vor.u32 s23, v1;
	[tilespmem:s23+$0x1010] =	vst.msk vm2, v5  }
0x6f: {  	(v2sf) =	vpush v8, $0x0;
	[tilespmem:s23+$0x1420] =	vst.msk vm2, v6  }
0x70: {  	v5 =	vld [tilespmem:s9+$0xFFFFFC00];
	_ =	sdelay $0x1  }
0x71: {  	v6 =	vld [tilespmem:s9+$0x0]  }
0x72: {  	v7 =	vld [tilespmem:s9+$0x400];
	_ =	sdelay $0x1  }
0x73: {  	v60 =	vmul.f32 $1.280000000e+02, v5;
	_ =	sdelay $0x1  }
0x74: {  	v5 =	vand.u32 $0x7FFFFFFF, v5;
	v61 =	vmul.f32 $1.280000000e+02, v6;
	v8 =	vadd.f32 $6.400000000e+01, v60  }
0x75: {  	v6 =	vand.u32 $0x7FFFFFFF, v6;
	v62 =	vmul.f32 $1.280000000e+02, v7;
	vm2 =	vlt.f32 v5, $5.000000000e-01  }
0x76: {  	vm3 =	vlt.f32 v6, $5.000000000e-01;
	v5 =	vtrunc.f32 v8;
	v8 =	vadd.f32 $6.400000000e+01, v61  }
0x77: {  	s28 =	simm.s32 $0x20;
	s31 =	simm.s32 $0x40;
	v63 =	vand.u32 $0x7FFFFFFF, v7;
	vm2 =	vmand vm2, vm3;
	v6 =	vadd.f32 $6.400000000e+01, v62  }
0x78: {  	s29 =	simm.s32 $0x430;
	s30 =	simm.s32 $0x0;
	s0 =	simm.s32 $0x0;
	vm3 =	vlt.f32 v63, $5.000000000e-01;
	v5 =	vcvt.f32.s32 v5;
	v7 =	vtrunc.f32 v8  }
.LBB2_5:
0x79: {  	p0 =	sne.s32 s31, $0x3E0;
	v7 =	vcvt.f32.s32 v7;
	v6 =	vtrunc.f32 v6;
	vm2 =	vmand vm2, vm3;
	s5 =	smov.u32 s31;
	s31 =	sadd.s32 $0x20, s31  }
0x7a: {  	v6 =	vcvt.f32.s32 v6;
	v8 =	vmpcnt.ones.xlane vm2  }
0x7b: {  	vm3 =	vgt.s32 v5, $0x0;
	vm4 =	vgt.s32 v7, $0x0;
	s9 =	spop (v2sf)  }
0x7c: {  	v5 =	vnsel vm3, $0x0, v5;
	v7 =	vnsel vm4, $0x0, v7;
	vm3 =	vgt.s32 v6, $0x0  }
0x7d: {  	v5 =	vmin.u32 v5, $0x7F;
	v7 =	vmin.u32 v7, $0x7F;
	v6 =	vnsel vm3, $0x0, v6  }
0x7e: {  	v5 =	vshll.u32 v5, $0xC;
	v6 =	vmin.u32 v6, $0x7F;
	v7 =	vshll.u32 v7, $0x5  }
0x7f: {  	v5 =	vor.u32 v5, v7;
	v7 =	vshrl.u32 v6, $0x4;
	(v2sf) =	vpush v8, $0x0  }
0x80: {  	s0 =	sadd.s32 s0, s9;
	v5 =	vor.u32 v7, v5  }
0x81: {  	s9 =	sadd.s32 $0x10, s30;
	s30 =	smov.u32 s28;
	s28 =	smov.u32 s5;
	[tilespmem:s0+$0xC00] =	vst.msk vm2, v5;
	v5 =	vand.u32 $0xF, v6  }
0x82: {  	v6 =	vor.u32 s9, v1;
	[tilespmem:s0+$0x1010] =	vst.msk vm2, v5  }
0x83: {  	[tilespmem:s0+$0x1420] =	vst.msk vm2, v6  }
0x84: {  	v5 =	vld [tilespmem:s29+$0xFFFFFBF0]  }
0x85: {  	v6 =	vld [tilespmem:s29+$0xFFFFFFF0]  }
0x86: {  	v7 =	vld [tilespmem:s29+$0x3F0];
	_ =	sdelay $0x2  }
0x87: {  	v8 =	vmul.f32 $1.280000000e+02, v5;
	v5 =	vand.u32 $0x7FFFFFFF, v5  }
0x88: {  	v9 =	vmul.f32 $1.280000000e+02, v6;
	v6 =	vand.u32 $0x7FFFFFFF, v6  }
0x89: {  	v8 =	vadd.f32 $6.400000000e+01, v8;
	v10 =	vmul.f32 $1.280000000e+02, v7;
	vm2 =	vlt.f32 v6, $5.000000000e-01  }
0x8a: {  	v7 =	vand.u32 $0x7FFFFFFF, v7;
	v6 =	vadd.f32 $6.400000000e+01, v9  }
0x8b: {  	vm3 =	vlt.f32 v7, $5.000000000e-01;
	v8 =	vtrunc.f32 v8;
	v9 =	vadd.f32 $6.400000000e+01, v10  }
0x8c: {  	v7 =	vcvt.f32.s32 v8;
	v6 =	vtrunc.f32 v6;
	s5 =	spop (v2sf)  }
0x8d: {  	v6 =	vcvt.f32.s32 v6;
	v8 =	vtrunc.f32 v9;
	s0 =	sadd.s32 s0, s5  }
0x8e: {  	vm4 =	vgt.s32 v7, $0x0;
	v8 =	vcvt.f32.s32 v8  }
0x8f: {  	v7 =	vnsel vm4, $0x0, v7;
	vm4 =	vgt.s32 v6, $0x0  }
0x90: {  	vm5 =	vlt.f32 v5, $5.000000000e-01;
	v6 =	vnsel vm4, $0x0, v6;
	vm4 =	vgt.s32 v8, $0x0  }
0x91: {  	v5 =	vmin.u32 v7, $0x7F;
	v6 =	vmin.u32 v6, $0x7F;
	v7 =	vnsel vm4, $0x0, v8  }
0x92: {  	v5 =	vshll.u32 v5, $0xC;
	v7 =	vmin.u32 v7, $0x7F;
	v6 =	vshll.u32 v6, $0x5  }
0x93: {  	vm2 =	vmand vm5, vm2;
	v5 =	vor.u32 v5, v6;
	v6 =	vshrl.u32 v7, $0x4  }
0x94: {  	vm2 =	vmand vm2, vm3;
	v5 =	vor.u32 v6, v5  }
0x95: {  	v6 =	vmpcnt.ones.xlane vm2;
	[tilespmem:s0+$0xC00] =	vst.msk vm2, v5;
	v5 =	vand.u32 $0xF, v7  }
0x96: {  	v7 =	vor.u32 s30, v1;
	[tilespmem:s0+$0x1010] =	vst.msk vm2, v5  }
0x97: {  	[tilespmem:s0+$0x1420] =	vst.msk vm2, v7;
	(v2sf) =	vpush v6, $0x0  }
0x98: {  	v5 =	vld [tilespmem:s29+$0xFFFFFC00];
	_ =	sdelay $0x1  }
0x99: {  	v6 =	vld [tilespmem:s29+$0x0]  }
0x9a: {  	v7 =	vld [tilespmem:s29+$0x400];
	_ =	sdelay $0x1  }
0x9b: {  	v8 =	vmul.f32 $1.280000000e+02, v5;
	v5 =	vand.u32 $0x7FFFFFFF, v5;
	_ =	sdelay $0x1  }
.Ltmp5:
0x9c: {  	s29 =	sadd.s32 $0x20, s29;
	v8 =	vadd.f32 $6.400000000e+01, v8;
	v9 =	vmul.f32 $1.280000000e+02, v6;
	v6 =	vand.u32 $0x7FFFFFFF, v6;
	(pc) =	sbr.rel @p0 .LBB2_5-.Ltmp5, $4  }
0x9d: {  	vm2 =	vlt.f32 v5, $5.000000000e-01;
	v10 =	vmul.f32 $1.280000000e+02, v7;
	vm3 =	vlt.f32 v6, $5.000000000e-01  }
0x9e: {  	v5 =	vtrunc.f32 v8;
	v8 =	vadd.f32 $6.400000000e+01, v9;
	vm2 =	vmand vm2, vm3  }
0x9f: {  	v9 =	vand.u32 $0x7FFFFFFF, v7;
	v5 =	vcvt.f32.s32 v5;
	v6 =	vadd.f32 $6.400000000e+01, v10  }
0xa0: {  	vm3 =	vlt.f32 v9, $5.000000000e-01;
	v7 =	vtrunc.f32 v8  }
0xa1: {  	v7 =	vcvt.f32.s32 v7;
	v6 =	vtrunc.f32 v6  }
0xa2: {  	v6 =	vcvt.f32.s32 v6  }
0xa3: {  	vm4 =	vgt.s32 v5, $0x0;
	vm5 =	vgt.s32 v7, $0x0  }
0xa4: {  	v5 =	vnsel vm4, $0x0, v5;
	v7 =	vnsel vm5, $0x0, v7;
	vm10 =	vgt.s32 v6, $0x0  }
0xa5: {  	v5 =	vmin.u32 v5, $0x7F;
	v7 =	vmin.u32 v7, $0x7F;
	v6 =	vnsel vm10, $0x0, v6  }
0xa6: {  	v5 =	vshll.u32 v5, $0xC;
	v6 =	vmin.u32 v6, $0x7F;
	v7 =	vshll.u32 v7, $0x5  }
0xa7: {  	s5 =	spop (v2sf);
	v5 =	vor.u32 v5, v7;
	v7 =	vshrl.u32 v6, $0x4  }
0xa8: {  	vm2 =	vmand vm2, vm3;
	s0 =	sadd.s32 s0, s5;
	v5 =	vor.u32 v7, v5  }
0xa9: {  	s30 =	sadd.s32 $0x10, s30;
	[tilespmem:s0+$0xC00] =	vst.msk vm2, v5;
	v5 =	vand.u32 $0xF, v6  }
0xaa: {  	v6 =	vor.u32 s30, v1;
	[tilespmem:s0+$0x1010] =	vst.msk vm2, v5  }
0xab: {  	[tilespmem:s0+$0x1420] =	vst.msk vm2, v6  }
0xac: {  	v5 =	vmpcnt.ones.xlane vm2;
	v6 =	vld [tilespmem:s29+$0xFFFFFBF0]  }
0xad: {  	v7 =	vld [tilespmem:s29+$0xFFFFFFF0]  }
0xae: {  	(v2sf) =	vpush v5, $0x0;
	v5 =	vld [tilespmem:s29+$0x3F0];
	_ =	sdelay $0x2  }
0xaf: {  	v8 =	vmul.f32 $1.280000000e+02, v6  }
0xb0: {  	v9 =	vmul.f32 $1.280000000e+02, v7  }
0xb1: {  	v10 =	vmul.f32 $1.280000000e+02, v5;
	v8 =	vadd.f32 $6.400000000e+01, v8  }
0xb2: {  	v9 =	vadd.f32 $6.400000000e+01, v9  }
0xb3: {  	v6 =	vand.u32 $0x7FFFFFFF, v6;
	v10 =	vadd.f32 $6.400000000e+01, v10;
	v8 =	vtrunc.f32 v8  }
0xb4: {  	v7 =	vand.u32 $0x7FFFFFFF, v7;
	v9 =	vtrunc.f32 v9;
	v8 =	vcvt.f32.s32 v8  }
0xb5: {  	vm2 =	vlt.f32 v7, $5.000000000e-01;
	v58 =	vtrunc.f32 v10;
	v7 =	vcvt.f32.s32 v9  }
0xb6: {  	v5 =	vand.u32 $0x7FFFFFFF, v5;
	v9 =	vcvt.f32.s32 v58;
	vm3 =	vgt.s32 v8, $0x0  }
0xb7: {  	vm11 =	vlt.f32 v5, $5.000000000e-01;
	v5 =	vnsel vm3, $0x0, v8;
	vm3 =	vgt.s32 v7, $0x0  }
0xb8: {  	vm12 =	vlt.f32 v6, $5.000000000e-01;
	v7 =	vnsel vm3, $0x0, v7;
	vm3 =	vgt.s32 v9, $0x0  }
0xb9: {  	v5 =	vmin.u32 v5, $0x7F;
	v6 =	vmin.u32 v7, $0x7F;
	v7 =	vnsel vm3, $0x0, v9  }
0xba: {  	v5 =	vshll.u32 v5, $0xC;
	v7 =	vmin.u32 v7, $0x7F;
	v6 =	vshll.u32 v6, $0x5  }
0xbb: {  	vm2 =	vmand vm12, vm2;
	s31 =	spop (v2sf);
	v5 =	vor.u32 v5, v6;
	v6 =	vshrl.u32 v7, $0x4  }
0xbc: {  	vm2 =	vmand vm2, vm11;
	s0 =	sadd.s32 s0, s31;
	v5 =	vor.u32 v6, v5  }
0xbd: {  	[tilespmem:s0+$0xC00] =	vst.msk vm2, v5;
	v5 =	vand.u32 $0xF, v7  }
0xbe: {  	v6 =	vor.u32 s28, v1;
	[tilespmem:s0+$0x1010] =	vst.msk vm2, v5  }
0xbf: {  	[tilespmem:s0+$0x1420] =	vst.msk vm2, v6  }
0xc0: {  	v5 =	vld [tilespmem:s29+$0xFFFFFC00]  }
0xc1: {  	v6 =	vld [tilespmem:s29+$0x0]  }
0xc2: {  	v7 =	vld [tilespmem:s29+$0x400];
	_ =	sdelay $0x3  }
0xc3: {  	v59 =	vand.u32 $0x7FFFFFFF, v5;
	v60 =	vand.u32 $0x7FFFFFFF, v6  }
0xc4: {  	v61 =	vand.u32 $0x7FFFFFFF, v7;
	vm3 =	vlt.f32 v59, $5.000000000e-01;
	vm13 =	vlt.f32 v60, $5.000000000e-01  }
0xc5: {  	vm14 =	vlt.f32 v61, $5.000000000e-01;
	vm3 =	vmand vm3, vm13  }
0xc6: {  	v62 =	vmpcnt.ones.xlane vm2;
	vm2 =	vmand vm3, vm14  }
0xc7: {  	v63 =	vmpcnt.ones.xlane vm2  }
0xc8: {  	(v2sf) =	vpush v62, $0x0  }
0xc9: {  	(v2sf) =	vpush v63, $0x0;
	_ =	sdelay $0x1  }
0xca: {  	v5 =	vmul.f32 $1.280000000e+02, v5  }
0xcb: {  	v6 =	vmul.f32 $1.280000000e+02, v6;
	v7 =	vmul.f32 $1.280000000e+02, v7  }
0xcc: {  	v5 =	vadd.f32 $6.400000000e+01, v5  }
0xcd: {  	v6 =	vadd.f32 $6.400000000e+01, v6;
	v7 =	vadd.f32 $6.400000000e+01, v7  }
0xce: {  	v5 =	vtrunc.f32 v5  }
0xcf: {  	v6 =	vtrunc.f32 v6;
	v7 =	vtrunc.f32 v7  }
0xd0: {  	v5 =	vcvt.f32.s32 v5;
	v6 =	vcvt.f32.s32 v6  }
0xd1: {  	v7 =	vcvt.f32.s32 v7  }
0xd2: {  	vm3 =	vgt.s32 v5, $0x0;
	vm15 =	vgt.s32 v6, $0x0  }
0xd3: {  	v5 =	vnsel vm3, $0x0, v5;
	v6 =	vnsel vm15, $0x0, v6;
	vm3 =	vgt.s32 v7, $0x0  }
0xd4: {  	v5 =	vmin.u32 v5, $0x7F;
	v6 =	vmin.u32 v6, $0x7F;
	v7 =	vnsel vm3, $0x0, v7  }
0xd5: {  	v7 =	vmin.u32 v7, $0x7F;
	v5 =	vshll.u32 v5, $0xC;
	v6 =	vshll.u32 v6, $0x5  }
0xd6: {  	s9 =	spop (v2sf);
	v5 =	vor.u32 v5, v6;
	v6 =	vshrl.u32 v7, $0x4  }
0xd7: {  	s0 =	sadd.s32 s0, s9;
	v5 =	vor.u32 v6, v5;
	s30 =	spop (v2sf)  }
0xd8: {  	s9 =	sadd.s32 $0x10, s28;
	[tilespmem:s0+$0xC00] =	vst.msk vm2, v5;
	v5 =	vand.u32 $0xF, v7;
	s5 =	sadd.s32 s0, s30  }
0xd9: {  	v6 =	vor.u32 s9, v1;
	[tilespmem:s0+$0x1010] =	vst.msk vm2, v5;
	s31 =	sshll.u32 s5, $0x2  }
0xda: {  	[tilespmem:s0+$0x1420] =	vst.msk vm2, v6;
	s0 =	sadd.s32 $0x1C, s31  }
0xdb: {  	s29 =	sshra.s32 s0, $0x5  }
0xdc: {  	p0 =	slt.s32 s29, $0x1  }
.Ltmp6:
0xdd: {  	_ = 	snop;
	(pc) =	sbr.rel @p0 .LBB2_13-.Ltmp6, $4  }
0xde: {  	_ = 	snop  }
0xdf: {  	[tilespmem:s5+$0xC00] =	vst v0  }
0xe0: {  	[tilespmem:s5+$0x1010] =	vst v0  }
0xe1: {  	[tilespmem:s5+$0x1420] =	vst v3  }
0xe2: {  	p2 =	sne.s32 s29, $0x1  }
.Ltmp7:
0xe3: {  	_ = 	snop;
	(pc) =	sbr.rel @!p2 .LBB2_8-.Ltmp7, $3  }
0xe4: {  	_ =	sdelay $0x1  }
0xe5: {  	s28 =	simm.s32 $0x1840;
	s30 =	simm.s32 $0x10  }
0xe6: {  	s9 =	simm.s32 $0x0;
	s5 =	sadd.s32 $0xFFFFFFFF, s29;
	p1 =	por $0x0, $0x0  }
0xe7: {  	v5 =	vor.u32 s9, v1  }
0xe8: {  	v5 =	vshra.s32 v5, $0x2;
	_ =	sdelay $0x4  }
0xe9: {  	v5 =	vld.idx.msk [tilespmem:v5+s12+$0x0], $0xffff  }
0xea: {  	v6 =	vor.u32 s30, v1  }
0xeb: {  	p2 =	sne.s32 s5, $0x1;
	v6 =	vshra.s32 v6, $0x2  }
.Ltmp8:
0xec: {  	_ = 	snop;
	(pc) =	sbr.rel @!p2 .LBB2_10-.Ltmp8, $4  }
0xed: {  	_ = 	snop  }
0xee: {  	v5 =	vadd.s32 v4, v5  }
0xef: {  	s30 =	simm.s32 $0x30;
	s9 =	simm.s32 $0x20;
	[tilespmem:s28+$0xFFFFFFF0] =	vst v5  }
0xf0: {  	s5 =	sadd.s32 $0xFFFFFFFF, s5;
	p1 =	por $0x1, $0x1;
	s31 =	simm.s32 $0x1840;
	v5 =	vld.idx.msk [tilespmem:v6+s12+$0x0], $0xffff  }
.LBB2_11:
0xf1: {  	p2 =	sne.s32 s5, $0x1;
	v6 =	vor.u32 s9, v1  }
0xf2: {  	v6 =	vshra.s32 v6, $0x2;
	_ =	sdelay $0x2  }
0xf3: {  	v5 =	vadd.s32 v4, v5  }
0xf4: {  	[tilespmem:s31+$0x0] =	vst v5  }
0xf5: {  	v5 =	vld.idx.msk [tilespmem:v6+s12+$0x0], $0xffff;
	_ =	sdelay $0x1  }
0xf6: {  	v6 =	vor.u32 s30, v1  }
0xf7: {  	v6 =	vshra.s32 v6, $0x2;
	_ =	sdelay $0x1  }
.Ltmp9:
0xf8: {  	(pc) =	sbr.rel @p2 .LBB2_11-.Ltmp9, $4  }
0xf9: {  	s31 =	sadd.s32 $0x20, s31;
	v5 =	vadd.s32 v4, v5  }
0xfa: {  	[tilespmem:s31+$0xFFFFFFF0] =	vst v5  }
0xfb: {  	s30 =	sadd.s32 $0x20, s30;
	v5 =	vld.idx.msk [tilespmem:v6+s12+$0x0], $0xffff  }
0xfc: {  	s5 =	sadd.s32 $0xFFFFFFFF, s5;
	s9 =	sadd.s32 $0xFFFFFFF0, s30  }
.LBB2_12:
0xfd: {  	v6 =	vor.u32 s9, v1  }
0xfe: {  	v6 =	vshra.s32 v6, $0x2;
	_ =	sdelay $0x2  }
0xff: {  	v5 =	vadd.s32 @p1 v4, v5  }
0x100: {  	[tilespmem:s31+$0x0] =	vst @p1 v5  }
0x101: {  	v5 =	vld.idx.msk [tilespmem:v6+s12+$0x0], $0xffff  }
0x102: {  	v6 =	vor.u32 s30, v1  }
0x103: {  	v6 =	vshra.s32 v6, $0x2;
	_ =	sdelay $0x1  }
0x104: {  	s5 =	sadd.s32 @p1 $0x20, s31  }
0x105: {  	s28 =	smov.u32 @p1 s5;
	v5 =	vadd.s32 v4, v5  }
0x106: {  	[tilespmem:s28+$0xFFFFFFF0] =	vst v5  }
0x107: {  	v5 =	vld.idx.msk [tilespmem:v6+s12+$0x0], $0xffff;
	_ =	sdelay $0x4  }
0x108: {  	v5 =	vadd.s32 v4, v5  }
0x109: {  	[tilespmem:s28+$0x0] =	vst v5  }
0x10a: {  	[tilespmem:s15], [sflag:$0x1] =	stream.indirect.gather [hbm4b:s1+s13], $0x10, s14, s13, $0xb8;
	[tilespmem:$0x13A30] =	vst v63  }
0x10b: {  	_ =	swait.ge [sflag:s16], $0x2000  }
0x10c: {  	[sflag:s16] =	ssyncset.done $0x0  }
0x10d: {  	[sflag:s16] =	ssyncadd.s32 $0xFFFFE000  }
.LBB2_13:
0x10e: {  	s0 =	sand.u32 $0xFFFFFFE0, s0  }
0x10f: {  	p1 =	slt.s32 s0, $0x201  }
0x110: {  	s5 =	simm.s32 @!p1 $0x200;
	s9 =	simm.s32 @!p1 $0x1A30;
	s28 =	simm.s32 @!p1 $0x4830  }
0x111: {  	[tilespmem:s28], [sflag:$0x1] =	stream.indirect.gather @!p1 [hbm4b:s1+s5], $0x10, s9, s5, $0xb8;
	[tilespmem:$0x13A30] =	vst v63  }
0x112: {  	s5 =	simm.s32 @!p1 $0x1  }
0x113: {  	_ =	swait.ge @!p1 [sflag:s5], $0x2000  }
0x114: {  	p2 =	slt.u32 @!p1 s0, $0x401;
	[sflag:s5] =	ssyncset.done @!p1 $0x0  }
0x115: {  	[sflag:s5] =	ssyncadd.s32 @!p1 $0xFFFFE000;
	p1 =	por p1, p2  }
0x116: {  	s5 =	simm.s32 @!p1 $0x200  }
0x117: {  	s9 =	simm.s32 @!p1 $0x1C30;
	s28 =	simm.s32 @!p1 $0x6830;
	p2 =	slt.u32 @!p1 s0, $0x601  }
0x118: {  	[tilespmem:s28], [sflag:$0x1] =	stream.indirect.gather @!p1 [hbm4b:s1+s5], $0x10, s9, s5, $0xb8;
	[tilespmem:$0x13A30] =	vst v63  }
0x119: {  	p2 =	por p1, p2  }
.Ltmp10:
0x11a: {  	_ = 	snop;
	(pc) =	sbr.rel @p2 .LBB2_15-.Ltmp10, $4  }
0x11b: {  	s5 =	simm.s32 @!p1 $0x1  }
0x11c: {  	_ =	swait.ge @!p1 [sflag:s5], $0x2000  }
0x11d: {  	[sflag:s5] =	ssyncset.done @!p1 $0x0  }
0x11e: {  	[sflag:s5] =	ssyncadd.s32 @!p1 $0xFFFFE000  }
0x11f: {  	[tilespmem:s18], [sflag:$0x1] =	stream.indirect.gather [hbm4b:s1+s13], $0x10, s17, s13, $0xb8;
	[tilespmem:$0x13A30] =	vst v63  }
0x120: {  	p1 =	slt.u32 s0, $0x801;
	_ =	swait.ge [sflag:s16], $0x2000  }
0x121: {  	s5 =	simm.s32 @!p1 $0x200;
	s9 =	simm.s32 @!p1 $0x2030;
	[sflag:s16] =	ssyncset.done $0x0  }
0x122: {  	s28 =	simm.s32 @!p1 $0xA830;
	p2 =	slt.u32 @!p1 s0, $0xA01;
	[sflag:s16] =	ssyncadd.s32 $0xFFFFE000  }
0x123: {  	[tilespmem:s28], [sflag:$0x1] =	stream.indirect.gather @!p1 [hbm4b:s1+s5], $0x10, s9, s5, $0xb8;
	[tilespmem:$0x13A30] =	vst v63  }
0x124: {  	p3 =	por p2, p1;
	s5 =	simm.s32 @!p1 $0x1  }
0x125: {  	p4 =	slt.u32 @!p3 s0, $0xC01;
	_ =	swait.ge @!p1 [sflag:s5], $0x2000  }
0x126: {  	s9 =	simm.s32 @!p3 $0x2230;
	s28 =	simm.s32 @!p3 $0xC830;
	[sflag:s5] =	ssyncset.done @!p1 $0x0  }
0x127: {  	p5 =	por @!p1 p4, p2;
	[sflag:s5] =	ssyncadd.s32 @!p1 $0xFFFFE000;
	s5 =	simm.s32 @!p3 $0x200  }
0x128: {  	[tilespmem:s28], [sflag:$0x1] =	stream.indirect.gather @!p3 [hbm4b:s1+s5], $0x10, s9, s5, $0xb8;
	[tilespmem:$0x13A30] =	vst v63  }
0x129: {  	p5 =	por p5, p1;
	s5 =	simm.s32 @!p3 $0x1  }
0x12a: {  	p6 =	slt.u32 @!p5 s0, $0xE01;
	_ =	swait.ge @!p3 [sflag:s5], $0x2000  }
0x12b: {  	s9 =	simm.s32 @!p5 $0x2430;
	s28 =	simm.s32 @!p5 $0xE830;
	[sflag:s5] =	ssyncset.done @!p3 $0x0  }
0x12c: {  	[sflag:s5] =	ssyncadd.s32 @!p3 $0xFFFFE000;
	s5 =	simm.s32 @!p5 $0x200;
	p3 =	por @!p3 p6, p4  }
0x12d: {  	[tilespmem:s28], [sflag:$0x1] =	stream.indirect.gather @!p5 [hbm4b:s1+s5], $0x10, s9, s5, $0xb8;
	[tilespmem:$0x13A30] =	vst v63  }
0x12e: {  	s5 =	simm.s32 @!p5 $0x1;
	p2 =	por @!p1 p3, p2  }
0x12f: {  	_ =	swait.ge @!p5 [sflag:s5], $0x2000;
	p1 =	por p2, p1  }
0x130: {  	[sflag:s5] =	ssyncset.done @!p5 $0x0;
	s0 =	simm.s32 @!p1 $0x200  }
0x131: {  	s9 =	simm.s32 @!p1 $0x10830;
	[sflag:s5] =	ssyncadd.s32 @!p5 $0xFFFFE000;
	s5 =	simm.s32 @!p1 $0x2630  }
0x132: {  	[tilespmem:s9], [sflag:$0x1] =	stream.indirect.gather @!p1 [hbm4b:s1+s0], $0x10, s5, s0, $0xb8;
	[tilespmem:$0x13A30] =	vst v63  }
0x133: {  	s0 =	simm.s32 @!p1 $0x1  }
0x134: {  	_ =	swait.ge @!p1 [sflag:s0], $0x2000  }
0x135: {  	[sflag:s0] =	ssyncset.done @!p1 $0x0  }
0x136: {  	[sflag:s0] =	ssyncadd.s32 @!p1 $0xFFFFE000  }
.LBB2_15:
.Ltmp11:
0x137: {  	(pc) =	sbr.rel @p0 .LBB2_21-.Ltmp11, $2  }
0x138: {  	_ =	sdelay $0x2  }
0x139: {  	s28 =	simm.s32 $0x10  }
0x13a: {  	p1 =	sne.s32 s29, $0x1  }
.Ltmp12:
0x13b: {  	_ = 	snop;
	(pc) =	sbr.rel @!p1 .LBB2_17-.Ltmp12, $4  }
0x13c: {  	_ = 	snop  }
0x13d: {  	s0 =	sadd.s32 $0xFFFFFFF0, s28  }
0x13e: {  	v7 =	vor.u32 s0, v1  }
0x13f: {  	p0 =	por $0x0, $0x0;
	s0 =	sadd.s32 $0xFFFFFFFF, s29;
	v6 =	vshra.s32 v7, $0x2  }
0x140: {  	_ =	sdelay $0x3  }
0x141: {  	v5 =	vld.idx.msk [tilespmem:v6+s19+$0x0], $0xffff;
	_ =	sdelay $0x4  }
0x142: {  	v7 =	vshll.u32 v7, $0x4;
	v8 =	vand.u32 $0xFFFFFFF8, v5  }
0x143: {  	v5 =	vand.u32 $0x7, v5;
	v7 =	vadd.s32 v7, v8  }
0x144: {  	v5 =	vor.u32 v5, v7;
	_ =	sdelay $0x4  }
0x145: {  	v5 =	vld.idx.msk [tilespmem:v5+s15+$0x0], $0xffff;
	_ =	sdelay $0x4  }
0x146: {  	v7 =	vsub.f32 $0.0e+00, v5;
	_ =	sdelay $0x1  }
0x147: {  	v7 =	vmul.f32 $1.442695020e+00, v7;
	_ =	sdelay $0x1  }
0x148: {  	(erf) = vpow2.f32 v7;
	_ =	sdelay $0x8  }
0x149: {  	v7 =	vpop (erf)  }
0x14a: {  	v7 =	vadd.f32 $1.000000000e+00, v7  }
0x14b: {  	v6 =	vld.idx.msk [tilespmem:v6+s20+$0x0], $0xffff  }
0x14c: {  	(erf) = vrcp.f32 v7;
	_ =	sdelay $0x3  }
0x14d: {  	v7 =	vmul.u32 $0x3, v6;
	_ =	sdelay $0x1  }
0x14e: {  	v7 =	vadd.s32 v2, v7  }
0x14f: {  	v8 =	vor.u32 s28, v1;
	v6 =	vadd.s32 $0xC00, v6  }
0x150: {  	v9 =	vshra.s32 v8, $0x2  }
0x151: {  	v5 =	vmax.f32 v5, $0.0e+00;
	v10 =	vpop (erf)  }
0x152: {  	v5 =	vsel vm0, v10, v5  }
0x153: {  	[tilespmem:v7+s11+$0x0] =	vst.idx.msk vm0, v5  }
0x154: {  	[tilespmem:v6+s11+$0x0] =	vst.idx.msk vm1, v5  }
0x155: {  	v5 =	vld.idx.msk [tilespmem:v9+s19+$0x0], $0xffff;
	_ =	sdelay $0x4  }
0x156: {  	v7 =	vshll.u32 v8, $0x4;
	v6 =	vand.u32 $0xFFFFFFF8, v5  }
0x157: {  	v5 =	vand.u32 $0x7, v5;
	v6 =	vadd.s32 v7, v6  }
0x158: {  	v5 =	vor.u32 v5, v6;
	_ =	sdelay $0x4  }
0x159: {  	v5 =	vld.idx.msk [tilespmem:v5+s15+$0x0], $0xffff;
	_ =	sdelay $0x4  }
0x15a: {  	v6 =	vsub.f32 $0.0e+00, v5;
	_ =	sdelay $0x1  }
0x15b: {  	v6 =	vmul.f32 $1.442695020e+00, v6;
	_ =	sdelay $0x1  }
0x15c: {  	(erf) = vpow2.f32 v6;
	_ =	sdelay $0x8  }
0x15d: {  	v7 =	vpop (erf)  }
0x15e: {  	v7 =	vadd.f32 $1.000000000e+00, v7  }
0x15f: {  	v6 =	vld.idx.msk [tilespmem:v9+s20+$0x0], $0xffff  }
0x160: {  	(erf) = vrcp.f32 v7;
	_ =	sdelay $0x2  }
0x161: {  	p1 =	sne.s32 s0, $0x1  }
.Ltmp13:
0x162: {  	v8 =	vmul.u32 $0x3, v6;
	(pc) =	sbr.rel @!p1 .LBB2_20-.Ltmp13, $4  }
0x163: {  	s28 =	sadd.s32 $0x20, s28  }
0x164: {  	s5 =	sadd.s32 $0xFFFFFFF0, s28;
	v8 =	vadd.s32 v2, v8  }
0x165: {  	v9 =	vadd.s32 $0xC00, v6;
	v7 =	vor.u32 s5, v1  }
0x166: {  	s29 =	sadd.s32 $0xFFFFFFFF, s0;
	p0 =	por $0x1, $0x1;
	v6 =	vshra.s32 v7, $0x2  }
.LBB2_19:
0x167: {  	p1 =	sne.s32 s29, $0x1;
	v5 =	vmax.f32 v5, $0.0e+00;
	v10 =	vpop (erf)  }
0x168: {  	v5 =	vsel vm0, v10, v5  }
0x169: {  	[tilespmem:v8+s11+$0x0] =	vst.idx.msk vm0, v5  }
0x16a: {  	[tilespmem:v9+s11+$0x0] =	vst.idx.msk vm1, v5  }
0x16b: {  	v5 =	vld.idx.msk [tilespmem:v6+s19+$0x0], $0xffff  }
0x16c: {  	v6 =	vld.idx.msk [tilespmem:v6+s20+$0x0], $0xffff;
	_ =	sdelay $0x4  }
0x16d: {  	v7 =	vshll.u32 v7, $0x4;
	v8 =	vand.u32 $0xFFFFFFF8, v5  }
0x16e: {  	v5 =	vand.u32 $0x7, v5;
	v7 =	vadd.s32 v7, v8  }
0x16f: {  	v5 =	vor.u32 v5, v7;
	_ =	sdelay $0x4  }
0x170: {  	v5 =	vld.idx.msk [tilespmem:v5+s15+$0x0], $0xffff;
	_ =	sdelay $0x5  }
0x171: {  	v7 =	vsub.f32 $0.0e+00, v5;
	_ =	sdelay $0x1  }
0x172: {  	v7 =	vmul.f32 $1.442695020e+00, v7;
	_ =	sdelay $0x1  }
0x173: {  	(erf) = vpow2.f32 v7;
	_ =	sdelay $0x8  }
0x174: {  	v7 =	vpop (erf)  }
0x175: {  	v7 =	vadd.f32 $1.000000000e+00, v7;
	_ =	sdelay $0x1  }
0x176: {  	(erf) = vrcp.f32 v7;
	_ =	sdelay $0x3  }
0x177: {  	v7 =	vmul.u32 $0x3, v6;
	_ =	sdelay $0x1  }
0x178: {  	v7 =	vadd.s32 v2, v7  }
0x179: {  	v8 =	vor.u32 s28, v1;
	v6 =	vadd.s32 $0xC00, v6  }
0x17a: {  	v9 =	vshra.s32 v8, $0x2  }
0x17b: {  	v5 =	vmax.f32 v5, $0.0e+00;
	v10 =	vpop (erf)  }
0x17c: {  	v5 =	vsel vm0, v10, v5  }
0x17d: {  	[tilespmem:v7+s11+$0x0] =	vst.idx.msk vm0, v5  }
0x17e: {  	[tilespmem:v6+s11+$0x0] =	vst.idx.msk vm1, v5  }
0x17f: {  	v5 =	vld.idx.msk [tilespmem:v9+s19+$0x0], $0xffff  }
0x180: {  	v6 =	vld.idx.msk [tilespmem:v9+s20+$0x0], $0xffff;
	_ =	sdelay $0x4  }
0x181: {  	v8 =	vshll.u32 v8, $0x4;
	v7 =	vand.u32 $0xFFFFFFF8, v5  }
0x182: {  	v5 =	vand.u32 $0x7, v5;
	v7 =	vadd.s32 v8, v7  }
0x183: {  	v5 =	vor.u32 v5, v7;
	_ =	sdelay $0x4  }
0x184: {  	v5 =	vld.idx.msk [tilespmem:v5+s15+$0x0], $0xffff;
	_ =	sdelay $0x5  }
0x185: {  	v7 =	vsub.f32 $0.0e+00, v5;
	_ =	sdelay $0x1  }
0x186: {  	v7 =	vmul.f32 $1.442695020e+00, v7;
	_ =	sdelay $0x1  }
0x187: {  	(erf) = vpow2.f32 v7;
	_ =	sdelay $0x8  }
0x188: {  	v7 =	vpop (erf)  }
0x189: {  	v7 =	vadd.f32 $1.000000000e+00, v7;
	_ =	sdelay $0x1  }
0x18a: {  	(erf) = vrcp.f32 v7;
	_ =	sdelay $0x3  }
.Ltmp14:
0x18b: {  	v7 =	vmul.u32 $0x3, v6;
	(pc) =	sbr.rel @p1 .LBB2_19-.Ltmp14, $4  }
0x18c: {  	s28 =	sadd.s32 $0x20, s28  }
0x18d: {  	s0 =	sadd.s32 $0xFFFFFFF0, s28;
	v8 =	vadd.s32 v2, v7  }
0x18e: {  	v9 =	vadd.s32 $0xC00, v6;
	v7 =	vor.u32 s0, v1  }
0x18f: {  	s29 =	sadd.s32 $0xFFFFFFFF, s29;
	v6 =	vshra.s32 v7, $0x2  }
.Ltmp15:
0x190: {  	_ = 	snop;
	(pc) =	sbr.rel .LBB2_20-.Ltmp15, $1  }
0x191: {  	_ =	sdelay $0x3  }
.LBB2_8:
.Ltmp16:
0x192: {  	(pc) =	sbr.rel .LBB2_12-.Ltmp16, $2  }
0x193: {  	_ =	sdelay $0x2  }
0x194: {  	s31 =	simm.s32 $0x1840  }
.LBB2_10:
.Ltmp17:
0x195: {  	(pc) =	sbr.rel .LBB2_12-.Ltmp17, $2  }
0x196: {  	_ =	sdelay $0x2  }
0x197: {  	s31 =	simm.s32 $0x1840  }
.LBB2_23:
0x198: {  	_ =	sfence.sel $0x180000  }
0x199: {  	[bflag:$0x0] =	sbarrier.arrive $0xFFFF  }
0x19a: {  	_ =	strace $0x90000047  }
0x19b: {  	s0 =	stileid.u32;
	[bflag:$0x2] =	sbarrier.arrive $0xFFFF  }
0x19c: {  	p0 =	sne.s32 s0, $0x0;
	s0 =	rddreg [dreg:$0x4]  }
0x19d: {  	s0 =	sadd.s32 @!p0 $0x100000, s0  }
0x19e: {  	[sflag:s0] =	ssyncadd.tile.s32 @!p0 $0x1;
	_ =	shalt  }
.Lfunc_end2:
_tile_overlayer_lowered:
.L_overlay_start_2:
0x19f: {  	(tag) =	ssettag $0x2  }
0x1a0: {  	s0 =	rddreg [dreg:$0x0];
	s2 =	stileid.u32  }
0x1a1: {  	s1 =	rddreg [dreg:$0x1];
	p0 =	sne.s32 s2, $0x0  }
0x1a2: {  	s3 =	rddreg [dreg:$0x2];
	[bflag:$0x3] =	sbarrier.arrive $0xFFFF;
	s2 =	simm.s32 @!p0 $0x1C02  }
0x1a3: {  	[timem:s3], [sflag:s2] =	dma.local @!p0 [hbm:s0], s1  }
0x1a4: {  	s0 =	simm.s32 @!p0 $0x2  }
0x1a5: {  	_ =	swait.ge @!p0 [sflag:s0], s1  }
0x1a6: {  	s1 =	ssub.s32 @!p0 $0x0, s1;
	[sflag:s0] =	ssyncset.done @!p0 $0x0  }
0x1a7: {  	[sflag:s0] =	ssyncadd.s32 @!p0 s1  }
0x1a8: {  	[bflag:$0x3] =	sbarrier.arrive $0xFFFF  }
0x1a9: {  	_ =	shalt  }

</sc_bundles>
